<compile_context>
chip_gen: v7x
topology: tpu7x:2x2x1
jax: 0.10.2.dev20260603
libtpu: 0.0.44.dev20260713+nightly
codegen_flags: <defaults>
</compile_context>

<pallas_src>
import functools

import jax
import jax.numpy as jnp
from jax import lax
from jax.experimental import pallas as pl
from jax.experimental.pallas import tpu as pltpu
from jax.experimental.pallas import tpu_sc as plsc

NC = 2
NS = 16
NW = NC * NS
LANES = 16


NBUF = 3
UNROLL = 2
ACC_ROWS = 16


def _make_pool(vocab, embed, batch, seq_chunks, chunk):
  rows_per_w = batch // NW
  nreg = embed // LANES
  mesh = plsc.VectorSubcoreMesh(
      core_axis_name="c", subcore_axis_name="s",
      num_cores=NC, num_subcores=NS)

  def body(x_hbm, emb_hbm, out_hbm, idx_v, buf_v, acc_v, sems):
    wid = lax.axis_index("s") * NC + lax.axis_index("c")
    base = wid * rows_per_w
    pltpu.sync_copy(x_hbm.at[pl.ds(base, rows_per_w)], idx_v)

    def fire_chunk(b, p, j):
      pltpu.async_copy(emb_hbm.at[idx_v.at[b, j]], buf_v.at[p, j],
                       sems.at[p, j])

    def fire(b, p):
      for j in range(seq_chunks):
        fire_chunk(b, p, j)

    def wait(p, j):
      pltpu.make_async_copy(
          emb_hbm.at[idx_v.at[0, j]], buf_v.at[p, j], sems.at[p, j]).wait()

    lax.fori_loop(0, NBUF, lambda i, c: (fire(i, i), c)[1], 0)

    def accum(p, b):
      def tok(j):
        def f(t, acc):
          for u in range(UNROLL):
            acc = tuple(
                acc[k] + buf_v[p, j, UNROLL * t + u, pl.ds(LANES * k, LANES)]
                for k in range(nreg))
          return acc
        return f
      acc = tuple(jnp.zeros((LANES,), jnp.float32) for _ in range(nreg))
      for j in range(seq_chunks):
        wait(p, j)
        acc = lax.fori_loop(0, chunk // UNROLL, tok(j), acc)
      for k in range(nreg):
        acc_v[b % ACC_ROWS, pl.ds(LANES * k, LANES)] = acc[k]

    def step(b, carry):
      p = b % NBUF
      accum(p, b)

      @pl.when(b + NBUF < rows_per_w)
      def _():
        fire(b + NBUF, p)

      @pl.when((b + 1) % ACC_ROWS == 0)
      def _():
        flush_base = pl.multiple_of(base + b + 1 - ACC_ROWS, ACC_ROWS)
        pltpu.sync_copy(acc_v, out_hbm.at[pl.ds(flush_base, ACC_ROWS)])
      return carry

    lax.fori_loop(0, rows_per_w, step, 0)

  return pl.kernel(
      body,
      out_type=jax.ShapeDtypeStruct((batch, embed), jnp.float32),
      mesh=mesh,
      scratch_types=[
          pltpu.VMEM((rows_per_w, seq_chunks, chunk), jnp.int32),
          pltpu.VMEM((NBUF, seq_chunks, chunk, embed), jnp.float32),
          pltpu.VMEM((ACC_ROWS, embed), jnp.float32),
          pltpu.SemaphoreType.DMA((NBUF, seq_chunks)),
      ],
  )


def _mlp_body(inv_l, p_ref, w1_ref, b1_ref, w2_ref, b2_ref, o_ref):
  pooled = p_ref[:] * inv_l
  h = jnp.maximum(
      jnp.dot(pooled, w1_ref[:], preferred_element_type=jnp.float32)
      + b1_ref[:][None, :], 0.0)
  out_t = lax.dot_general(
      w2_ref[:], h, (((0,), (1,)), ((), ())),
      preferred_element_type=jnp.float32)
  o_ref[:] = out_t + b2_ref[:][:, None]


def kernel(x, embedding, W1, b1, W2, b2):
  batch, seq = x.shape
  vocab, embed = embedding.shape
  hidden = W1.shape[1]
  ncls = W2.shape[1]
  del hidden
  chunk = 100
  seq_chunks = seq // chunk

  xr = x.astype(jnp.int32).reshape(batch, seq_chunks, chunk)
  pool = _make_pool(vocab, embed, batch, seq_chunks, chunk)
  pooled_sum = pool(xr, embedding)

  mlp = pl.pallas_call(
      functools.partial(_mlp_body, 1.0 / seq),
      out_shape=jax.ShapeDtypeStruct((ncls, batch), jnp.float32),
  )
  return mlp(pooled_sum, W1, b1, W2, b2).T

# --- scband reference (transcript-rebuilt; emitter-appended) ---
"""Pipeline reference for scband-text-classifier-47510928228636 (READ-ONLY COPY).

The authoritative reference and input builder live on the scoring server;
editing this copy changes nothing except your own understanding.
"""

import jax, jax.numpy as jnp
import numpy as np

VOCAB = 100000
EMBED = 128
HIDDEN = 128
NUM_CLASSES = 100
B = 4096
L = 200


def setup_inputs(seed: int = 0) -> dict:
    key = jax.random.key(seed)
    k1, k2, k3, k4 = jax.random.split(key, 4)
    x = jax.random.randint(k1, (B, L), 0, VOCAB, dtype=jnp.int64 if jax.config.jax_enable_x64 else jnp.int32)
    embedding = jax.random.normal(k2, (VOCAB, EMBED), dtype=jnp.float32) * 0.02
    W1 = jax.random.normal(k3, (EMBED, HIDDEN), dtype=jnp.float32) * (1.0 / np.sqrt(EMBED))
    b1 = jnp.zeros((HIDDEN,), dtype=jnp.float32)
    W2 = jax.random.normal(k4, (HIDDEN, NUM_CLASSES), dtype=jnp.float32) * (1.0 / np.sqrt(HIDDEN))
    b2 = jnp.zeros((NUM_CLASSES,), dtype=jnp.float32)
    return {"x": x, "embedding": embedding, "W1": W1, "b1": b1, "W2": W2, "b2": b2}


def reference(x, embedding, W1, b1, W2, b2):
    # nnx.Embed lookup
    emb = jnp.take(embedding, x, axis=0)          # [B, L, EMBED]
    # mean pool over sequence axis
    pooled = jnp.mean(emb, axis=1)                # [B, EMBED]
    # fc1 + relu
    h = jnp.maximum(pooled @ W1 + b1, 0.0)        # [B, HIDDEN]
    # dropout is deterministic (train=False) -> identity
    # fc2
    out = h @ W2 + b2                             # [B, NUM_CLASSES]
    return out

if __name__ == "__main__":
    import jax
    _d = setup_inputs()
    print(jax.jit(kernel)(*tuple(_d.values())))

</pallas_src>

<mosaic_0001>
#map = affine_map<(d0, d1) -> (0, 0, 0)>
#map1 = affine_map<(d0, d1) -> (0, 0)>
module attributes {stable_mosaic.version = 14 : i64} {
  func.func @body(%arg0: i32, %arg1: i32, %arg2: memref<4096x2x100xi32, #tpu.memory_space<hbm>>, %arg3: memref<100000x128xf32, #tpu.memory_space<hbm>>, %arg4: memref<4096x128xf32, #tpu.memory_space<hbm>>, %arg5: memref<128x2x100xi32, #tpu.memory_space<vmem>>, %arg6: memref<3x2x100x128xf32, #tpu.memory_space<vmem>>, %arg7: memref<16x128xf32, #tpu.memory_space<vmem>>, %arg8: memref<3x2x!tpu.dma_semaphore, #tpu.memory_space<semaphore_mem>>) attributes {dimension_semantics = [#tpu.dimension_semantics<core_parallel>, #tpu.dimension_semantics<subcore_parallel>], iteration_bounds = array<i64: 2, 16>, scalar_prefetch = 0 : i64, scratch_operands = 4 : i64, tpu.core_type = #tpu.core_type<sc_vector_subcore>, window_params = [{transform_indices = #map}, {transform_indices = #map1}, {transform_indices = #map1}]} {
    %mul3A = arith.constant 2 : i32
    %mul3A_0 = arith.muli %arg1, %mul3A : i32
    %add3A = arith.addi %mul3A_0, %arg0 : i32
    %mul3A_1 = arith.constant 128 : i32
    %mul3A_2 = arith.muli %add3A, %mul3A_1 : i32
    "tpu.region"() ({
      %run_scoped3A = tpu.sem_alloc : memref<!tpu.dma_semaphore, #tpu.memory_space<semaphore_mem>>
      %dma_start3A = arith.constant 0 : i32
      %dma_start3A_14 = arith.constant 0 : i32
      %dma_start3A_15 = tpu.memref_slice %arg2[%mul3A_2, %dma_start3A, %dma_start3A_14] : memref<4096x2x100xi32, #tpu.memory_space<hbm>> -> memref<128x2x100xi32, #tpu.memory_space<hbm>>
      %dma_start3A_16 = arith.constant 0 : i32
      %dma_start3A_17 = arith.constant 0 : i32
      %dma_start3A_18 = tpu.memref_slice %arg2[%mul3A_2, %dma_start3A_16, %dma_start3A_17] : memref<4096x2x100xi32, #tpu.memory_space<hbm>> -> memref<128x2x100xi32, #tpu.memory_space<hbm>>
      tpu.enqueue_dma source(%dma_start3A_18 : memref<128x2x100xi32, #tpu.memory_space<hbm>>) target(%arg5 : memref<128x2x100xi32, #tpu.memory_space<vmem>>) target_semaphore(%run_scoped3A : memref<!tpu.dma_semaphore, #tpu.memory_space<semaphore_mem>>)
      %dma_wait3A = arith.constant 0 : i32
      %dma_wait3A_19 = arith.constant 0 : i32
      %dma_wait3A_20 = tpu.memref_slice %arg2[%mul3A_2, %dma_wait3A, %dma_wait3A_19] : memref<4096x2x100xi32, #tpu.memory_space<hbm>> -> memref<128x2x100xi32, #tpu.memory_space<hbm>>
      %dma_wait3A_21 = arith.constant 0 : i32
      %dma_wait3A_22 = arith.constant 0 : i32
      %dma_wait3A_23 = tpu.memref_slice %arg2[%mul3A_2, %dma_wait3A_21, %dma_wait3A_22] : memref<4096x2x100xi32, #tpu.memory_space<hbm>> -> memref<128x2x100xi32, #tpu.memory_space<hbm>>
      tpu.wait_dma2 semaphore(%run_scoped3A : memref<!tpu.dma_semaphore, #tpu.memory_space<semaphore_mem>>) src(%dma_wait3A_23 : memref<128x2x100xi32, #tpu.memory_space<hbm>>) dst(%arg5 : memref<128x2x100xi32, #tpu.memory_space<vmem>>)
      tpu.yield
    }) : () -> ()
    %scan3A = arith.constant 0 : i32
    %scan3A_3 = arith.constant 0 : i32
    %scan3A_4 = arith.constant 3 : i32
    %scan3A_5 = arith.addi %scan3A_3, %scan3A_4 : i32
    %scan3A_6 = arith.constant 1 : i32
    scf.for %scan3A_14 = %scan3A_3 to %scan3A_5 step %scan3A_6  : i32 {
      %dma_start3A = arith.constant 0 : i32
      %dma_start3A_15 = arith.constant 0 : i32
      %dma_start3A_16 = arith.constant 0 : i32
      %dma_start3A_17 = arith.constant 0 : i32
      %dma_start3A_18 = arith.constant 0 : i32
      %dma_start3A_19 = tpu.memref_slice %arg6[%scan3A_14, %dma_start3A_15, %dma_start3A_17, %dma_start3A_18] : memref<3x2x100x128xf32, #tpu.memory_space<vmem>> -> memref<1x1x100x128xf32, #tpu.memory_space<vmem>>
      %dma_start3A_20 = tpu.memref_squeeze %dma_start3A_19 : memref<1x1x100x128xf32, #tpu.memory_space<vmem>> -> memref<100x128xf32, #tpu.memory_space<vmem>>
      %dma_start3A_21 = arith.constant 0 : i32
      %dma_start3A_22 = tpu.memref_slice %arg5[%scan3A_14, %dma_start3A, %dma_start3A_21] : memref<128x2x100xi32, #tpu.memory_space<vmem>> -> memref<1x1x100xi32, #tpu.memory_space<vmem>>
      %dma_start3A_23 = tpu.memref_squeeze %dma_start3A_22 : memref<1x1x100xi32, #tpu.memory_space<vmem>> -> memref<100xi32, #tpu.memory_space<vmem>>
      %dma_start3A_24 = arith.constant 0 : i32
      %dma_start3A_25 = arith.constant 0 : i32
      %dma_start3A_26 = tpu.memref_slice %arg3[%dma_start3A_24, %dma_start3A_25] : memref<100000x128xf32, #tpu.memory_space<hbm>> -> memref<100000x128xf32, #tpu.memory_space<hbm>>
      %dma_start3A_27 = tpu.memref_slice %arg8[%scan3A_14, %dma_start3A_16] : memref<3x2x!tpu.dma_semaphore, #tpu.memory_space<semaphore_mem>> -> memref<1x1x!tpu.dma_semaphore, #tpu.memory_space<semaphore_mem>>
      %dma_start3A_28 = tpu.memref_squeeze %dma_start3A_27 : memref<1x1x!tpu.dma_semaphore, #tpu.memory_space<semaphore_mem>> -> memref<!tpu.dma_semaphore, #tpu.memory_space<semaphore_mem>>
      tpu.enqueue_indirect_dma source(%dma_start3A_26 : memref<100000x128xf32, #tpu.memory_space<hbm>>) target(%dma_start3A_20 : memref<100x128xf32, #tpu.memory_space<vmem>>) offsets(%dma_start3A_23 : memref<100xi32, #tpu.memory_space<vmem>>) semaphore(%dma_start3A_28 : memref<!tpu.dma_semaphore, #tpu.memory_space<semaphore_mem>>)
      %dma_start3A_29 = arith.constant 1 : i32
      %dma_start3A_30 = arith.constant 1 : i32
      %dma_start3A_31 = arith.constant 1 : i32
      %dma_start3A_32 = arith.constant 0 : i32
      %dma_start3A_33 = arith.constant 0 : i32
      %dma_start3A_34 = tpu.memref_slice %arg6[%scan3A_14, %dma_start3A_30, %dma_start3A_32, %dma_start3A_33] : memref<3x2x100x128xf32, #tpu.memory_space<vmem>> -> memref<1x1x100x128xf32, #tpu.memory_space<vmem>>
      %dma_start3A_35 = tpu.memref_squeeze %dma_start3A_34 : memref<1x1x100x128xf32, #tpu.memory_space<vmem>> -> memref<100x128xf32, #tpu.memory_space<vmem>>
      %dma_start3A_36 = arith.constant 0 : i32
      %dma_start3A_37 = tpu.memref_slice %arg5[%scan3A_14, %dma_start3A_29, %dma_start3A_36] : memref<128x2x100xi32, #tpu.memory_space<vmem>> -> memref<1x1x100xi32, #tpu.memory_space<vmem>>
      %dma_start3A_38 = tpu.memref_squeeze %dma_start3A_37 : memref<1x1x100xi32, #tpu.memory_space<vmem>> -> memref<100xi32, #tpu.memory_space<vmem>>
      %dma_start3A_39 = arith.constant 0 : i32
      %dma_start3A_40 = arith.constant 0 : i32
      %dma_start3A_41 = tpu.memref_slice %arg3[%dma_start3A_39, %dma_start3A_40] : memref<100000x128xf32, #tpu.memory_space<hbm>> -> memref<100000x128xf32, #tpu.memory_space<hbm>>
      %dma_start3A_42 = tpu.memref_slice %arg8[%scan3A_14, %dma_start3A_31] : memref<3x2x!tpu.dma_semaphore, #tpu.memory_space<semaphore_mem>> -> memref<1x1x!tpu.dma_semaphore, #tpu.memory_space<semaphore_mem>>
      %dma_start3A_43 = tpu.memref_squeeze %dma_start3A_42 : memref<1x1x!tpu.dma_semaphore, #tpu.memory_space<semaphore_mem>> -> memref<!tpu.dma_semaphore, #tpu.memory_space<semaphore_mem>>
      tpu.enqueue_indirect_dma source(%dma_start3A_41 : memref<100000x128xf32, #tpu.memory_space<hbm>>) target(%dma_start3A_35 : memref<100x128xf32, #tpu.memory_space<vmem>>) offsets(%dma_start3A_38 : memref<100xi32, #tpu.memory_space<vmem>>) semaphore(%dma_start3A_43 : memref<!tpu.dma_semaphore, #tpu.memory_space<semaphore_mem>>)
    }
    %scan3A_7 = arith.constant 3 : i32
    %scan3A_8 = arith.constant 0 : i32
    %scan3A_9 = arith.constant 0 : i32
    %scan3A_10 = arith.constant 128 : i32
    %scan3A_11 = arith.addi %scan3A_9, %scan3A_10 : i32
    %scan3A_12 = arith.constant 1 : i32
    scf.for %scan3A_14 = %scan3A_9 to %scan3A_11 step %scan3A_12  : i32 {
      %jit3A = arith.constant 3 : i32
      %eq3A = arith.constant 0 : i32
      %eq3A_15 = arith.cmpi eq, %jit3A, %eq3A : i32
      %jit3A_16 = arith.constant 1 : i32
      %select_n3A = arith.select %eq3A_15, %jit3A_16, %jit3A : i32
      %rem3A = arith.remsi %scan3A_14, %select_n3A : i32
      %ne3A = arith.constant 0 : i32
      %ne3A_17 = arith.cmpi ne, %rem3A, %ne3A : i32
      %lt3A = arith.constant 0 : i32
      %lt3A_18 = arith.cmpi slt, %rem3A, %lt3A : i32
      %lt3A_19 = arith.constant 0 : i32
      %lt3A_20 = arith.cmpi slt, %select_n3A, %lt3A_19 : i32
      %ne3A_21 = arith.xori %lt3A_18, %lt3A_20 : i1
      %and3A = arith.andi %ne3A_21, %ne3A_17 : i1
      %add3A_22 = arith.addi %rem3A, %select_n3A : i32
      %select_n3A_23 = arith.select %and3A, %add3A_22, %rem3A : i32
      %broadcast_in_dim3A = arith.constant 0.000000e+00 : f32
      %broadcast_in_dim3A_24 = vector.broadcast %broadcast_in_dim3A : f32 to vector<16xf32>
      %broadcast_in_dim3A_25 = arith.constant 0.000000e+00 : f32
      %broadcast_in_dim3A_26 = vector.broadcast %broadcast_in_dim3A_25 : f32 to vector<16xf32>
      %broadcast_in_dim3A_27 = arith.constant 0.000000e+00 : f32
      %broadcast_in_dim3A_28 = vector.broadcast %broadcast_in_dim3A_27 : f32 to vector<16xf32>
      %broadcast_in_dim3A_29 = arith.constant 0.000000e+00 : f32
      %broadcast_in_dim3A_30 = vector.broadcast %broadcast_in_dim3A_29 : f32 to vector<16xf32>
      %broadcast_in_dim3A_31 = arith.constant 0.000000e+00 : f32
      %broadcast_in_dim3A_32 = vector.broadcast %broadcast_in_dim3A_31 : f32 to vector<16xf32>
      %broadcast_in_dim3A_33 = arith.constant 0.000000e+00 : f32
      %broadcast_in_dim3A_34 = vector.broadcast %broadcast_in_dim3A_33 : f32 to vector<16xf32>
      %broadcast_in_dim3A_35 = arith.constant 0.000000e+00 : f32
      %broadcast_in_dim3A_36 = vector.broadcast %broadcast_in_dim3A_35 : f32 to vector<16xf32>
      %broadcast_in_dim3A_37 = arith.constant 0.000000e+00 : f32
      %broadcast_in_dim3A_38 = vector.broadcast %broadcast_in_dim3A_37 : f32 to vector<16xf32>
      %dma_wait3A = arith.constant 0 : i32
      %dma_wait3A_39 = arith.constant 0 : i32
      %dma_wait3A_40 = arith.constant 0 : i32
      %dma_wait3A_41 = arith.constant 0 : i32
      %dma_wait3A_42 = arith.constant 0 : i32
      %dma_wait3A_43 = arith.constant 0 : i32
      %dma_wait3A_44 = tpu.memref_slice %arg6[%select_n3A_23, %dma_wait3A_40, %dma_wait3A_42, %dma_wait3A_43] : memref<3x2x100x128xf32, #tpu.memory_space<vmem>> -> memref<1x1x100x128xf32, #tpu.memory_space<vmem>>
      %dma_wait3A_45 = tpu.memref_squeeze %dma_wait3A_44 : memref<1x1x100x128xf32, #tpu.memory_space<vmem>> -> memref<100x128xf32, #tpu.memory_space<vmem>>
      %dma_wait3A_46 = arith.constant 0 : i32
      %dma_wait3A_47 = tpu.memref_slice %arg5[%dma_wait3A, %dma_wait3A_39, %dma_wait3A_46] : memref<128x2x100xi32, #tpu.memory_space<vmem>> -> memref<1x1x100xi32, #tpu.memory_space<vmem>>
      %dma_wait3A_48 = tpu.memref_squeeze %dma_wait3A_47 : memref<1x1x100xi32, #tpu.memory_space<vmem>> -> memref<100xi32, #tpu.memory_space<vmem>>
      %dma_wait3A_49 = arith.constant 0 : i32
      %dma_wait3A_50 = arith.constant 0 : i32
      %dma_wait3A_51 = tpu.memref_slice %arg3[%dma_wait3A_49, %dma_wait3A_50] : memref<100000x128xf32, #tpu.memory_space<hbm>> -> memref<100000x128xf32, #tpu.memory_space<hbm>>
      %dma_wait3A_52 = tpu.memref_slice %arg8[%select_n3A_23, %dma_wait3A_41] : memref<3x2x!tpu.dma_semaphore, #tpu.memory_space<semaphore_mem>> -> memref<1x1x!tpu.dma_semaphore, #tpu.memory_space<semaphore_mem>>
      %dma_wait3A_53 = tpu.memref_squeeze %dma_wait3A_52 : memref<1x1x!tpu.dma_semaphore, #tpu.memory_space<semaphore_mem>> -> memref<!tpu.dma_semaphore, #tpu.memory_space<semaphore_mem>>
      tpu.wait_indirect_dma semaphore(%dma_wait3A_53 : memref<!tpu.dma_semaphore, #tpu.memory_space<semaphore_mem>>) src(%dma_wait3A_51 : memref<100000x128xf32, #tpu.memory_space<hbm>>) dst(%dma_wait3A_45 : memref<100x128xf32, #tpu.memory_space<vmem>>)
      %scan3A_54 = arith.constant 0 : i32
      %scan3A_55 = arith.constant 50 : i32
      %scan3A_56 = arith.addi %scan3A_54, %scan3A_55 : i32
      %scan3A_57 = arith.constant 1 : i32
      %scan3A_58:8 = scf.for %scan3A_277 = %scan3A_54 to %scan3A_56 step %scan3A_57 iter_args(%scan3A_278 = %broadcast_in_dim3A_24, %scan3A_279 = %broadcast_in_dim3A_26, %scan3A_280 = %broadcast_in_dim3A_28, %scan3A_281 = %broadcast_in_dim3A_30, %scan3A_282 = %broadcast_in_dim3A_32, %scan3A_283 = %broadcast_in_dim3A_34, %scan3A_284 = %broadcast_in_dim3A_36, %scan3A_285 = %broadcast_in_dim3A_38) -> (vector<16xf32>, vector<16xf32>, vector<16xf32>, vector<16xf32>, vector<16xf32>, vector<16xf32>, vector<16xf32>, vector<16xf32>)  : i32 {
        %mul3A_286 = arith.constant 2 : i32
        %mul3A_287 = arith.muli %mul3A_286, %scan3A_277 : i32
        %add3A_288 = arith.constant 0 : i32
        %add3A_289 = arith.addi %mul3A_287, %add3A_288 : i32
        %get3A = arith.constant 0 : i32
        %get3A_290 = arith.index_cast %select_n3A_23 : i32 to index
        %get3A_291 = arith.index_cast %get3A : i32 to index
        %get3A_292 = arith.index_cast %add3A_289 : i32 to index
        %get3A_293 = arith.constant 0 : index
        %get3A_294 = tpu.vector_load %arg6[%get3A_290, %get3A_291, %get3A_292, %get3A_293] {strides = array<i32>} : memref<3x2x100x128xf32, #tpu.memory_space<vmem>>, vector<1x1x1x16xf32>,
        %get3A_295 = vector.shape_cast %get3A_294 : vector<1x1x1x16xf32> to vector<16xf32>
        %add3A_296 = arith.addf %scan3A_278, %get3A_295 : vector<16xf32>
        %mul3A_297 = arith.constant 2 : i32
        %mul3A_298 = arith.muli %mul3A_297, %scan3A_277 : i32
        %add3A_299 = arith.constant 0 : i32
        %add3A_300 = arith.addi %mul3A_298, %add3A_299 : i32
        %get3A_301 = arith.constant 0 : i32
        %get3A_302 = arith.index_cast %select_n3A_23 : i32 to index
        %get3A_303 = arith.index_cast %get3A_301 : i32 to index
        %get3A_304 = arith.index_cast %add3A_300 : i32 to index
        %get3A_305 = arith.constant 16 : index
        %get3A_306 = tpu.vector_load %arg6[%get3A_302, %get3A_303, %get3A_304, %get3A_305] {strides = array<i32>} : memref<3x2x100x128xf32, #tpu.memory_space<vmem>>, vector<1x1x1x16xf32>,
        %get3A_307 = vector.shape_cast %get3A_306 : vector<1x1x1x16xf32> to vector<16xf32>
        %add3A_308 = arith.addf %scan3A_279, %get3A_307 : vector<16xf32>
        %mul3A_309 = arith.constant 2 : i32
        %mul3A_310 = arith.muli %mul3A_309, %scan3A_277 : i32
        %add3A_311 = arith.constant 0 : i32
        %add3A_312 = arith.addi %mul3A_310, %add3A_311 : i32
        %get3A_313 = arith.constant 0 : i32
        %get3A_314 = arith.index_cast %select_n3A_23 : i32 to index
        %get3A_315 = arith.index_cast %get3A_313 : i32 to index
        %get3A_316 = arith.index_cast %add3A_312 : i32 to index
        %get3A_317 = arith.constant 32 : index
        %get3A_318 = tpu.vector_load %arg6[%get3A_314, %get3A_315, %get3A_316, %get3A_317] {strides = array<i32>} : memref<3x2x100x128xf32, #tpu.memory_space<vmem>>, vector<1x1x1x16xf32>,
        %get3A_319 = vector.shape_cast %get3A_318 : vector<1x1x1x16xf32> to vector<16xf32>
        %add3A_320 = arith.addf %scan3A_280, %get3A_319 : vector<16xf32>
        %mul3A_321 = arith.constant 2 : i32
        %mul3A_322 = arith.muli %mul3A_321, %scan3A_277 : i32
        %add3A_323 = arith.constant 0 : i32
        %add3A_324 = arith.addi %mul3A_322, %add3A_323 : i32
        %get3A_325 = arith.constant 0 : i32
        %get3A_326 = arith.index_cast %select_n3A_23 : i32 to index
        %get3A_327 = arith.index_cast %get3A_325 : i32 to index
        %get3A_328 = arith.index_cast %add3A_324 : i32 to index
        %get3A_329 = arith.constant 48 : index
        %get3A_330 = tpu.vector_load %arg6[%get3A_326, %get3A_327, %get3A_328, %get3A_329] {strides = array<i32>} : memref<3x2x100x128xf32, #tpu.memory_space<vmem>>, vector<1x1x1x16xf32>,
        %get3A_331 = vector.shape_cast %get3A_330 : vector<1x1x1x16xf32> to vector<16xf32>
        %add3A_332 = arith.addf %scan3A_281, %get3A_331 : vector<16xf32>
        %mul3A_333 = arith.constant 2 : i32
        %mul3A_334 = arith.muli %mul3A_333, %scan3A_277 : i32
        %add3A_335 = arith.constant 0 : i32
        %add3A_336 = arith.addi %mul3A_334, %add3A_335 : i32
        %get3A_337 = arith.constant 0 : i32
        %get3A_338 = arith.index_cast %select_n3A_23 : i32 to index
        %get3A_339 = arith.index_cast %get3A_337 : i32 to index
        %get3A_340 = arith.index_cast %add3A_336 : i32 to index
        %get3A_341 = arith.constant 64 : index
        %get3A_342 = tpu.vector_load %arg6[%get3A_338, %get3A_339, %get3A_340, %get3A_341] {strides = array<i32>} : memref<3x2x100x128xf32, #tpu.memory_space<vmem>>, vector<1x1x1x16xf32>,
        %get3A_343 = vector.shape_cast %get3A_342 : vector<1x1x1x16xf32> to vector<16xf32>
        %add3A_344 = arith.addf %scan3A_282, %get3A_343 : vector<16xf32>
        %mul3A_345 = arith.constant 2 : i32
        %mul3A_346 = arith.muli %mul3A_345, %scan3A_277 : i32
        %add3A_347 = arith.constant 0 : i32
        %add3A_348 = arith.addi %mul3A_346, %add3A_347 : i32
        %get3A_349 = arith.constant 0 : i32
        %get3A_350 = arith.index_cast %select_n3A_23 : i32 to index
        %get3A_351 = arith.index_cast %get3A_349 : i32 to index
        %get3A_352 = arith.index_cast %add3A_348 : i32 to index
        %get3A_353 = arith.constant 80 : index
        %get3A_354 = tpu.vector_load %arg6[%get3A_350, %get3A_351, %get3A_352, %get3A_353] {strides = array<i32>} : memref<3x2x100x128xf32, #tpu.memory_space<vmem>>, vector<1x1x1x16xf32>,
        %get3A_355 = vector.shape_cast %get3A_354 : vector<1x1x1x16xf32> to vector<16xf32>
        %add3A_356 = arith.addf %scan3A_283, %get3A_355 : vector<16xf32>
        %mul3A_357 = arith.constant 2 : i32
        %mul3A_358 = arith.muli %mul3A_357, %scan3A_277 : i32
        %add3A_359 = arith.constant 0 : i32
        %add3A_360 = arith.addi %mul3A_358, %add3A_359 : i32
        %get3A_361 = arith.constant 0 : i32
        %get3A_362 = arith.index_cast %select_n3A_23 : i32 to index
        %get3A_363 = arith.index_cast %get3A_361 : i32 to index
        %get3A_364 = arith.index_cast %add3A_360 : i32 to index
        %get3A_365 = arith.constant 96 : index
        %get3A_366 = tpu.vector_load %arg6[%get3A_362, %get3A_363, %get3A_364, %get3A_365] {strides = array<i32>} : memref<3x2x100x128xf32, #tpu.memory_space<vmem>>, vector<1x1x1x16xf32>,
        %get3A_367 = vector.shape_cast %get3A_366 : vector<1x1x1x16xf32> to vector<16xf32>
        %add3A_368 = arith.addf %scan3A_284, %get3A_367 : vector<16xf32>
        %mul3A_369 = arith.constant 2 : i32
        %mul3A_370 = arith.muli %mul3A_369, %scan3A_277 : i32
        %add3A_371 = arith.constant 0 : i32
        %add3A_372 = arith.addi %mul3A_370, %add3A_371 : i32
        %get3A_373 = arith.constant 0 : i32
        %get3A_374 = arith.index_cast %select_n3A_23 : i32 to index
        %get3A_375 = arith.index_cast %get3A_373 : i32 to index
        %get3A_376 = arith.index_cast %add3A_372 : i32 to index
        %get3A_377 = arith.constant 112 : index
        %get3A_378 = tpu.vector_load %arg6[%get3A_374, %get3A_375, %get3A_376, %get3A_377] {strides = array<i32>} : memref<3x2x100x128xf32, #tpu.memory_space<vmem>>, vector<1x1x1x16xf32>,
        %get3A_379 = vector.shape_cast %get3A_378 : vector<1x1x1x16xf32> to vector<16xf32>
        %add3A_380 = arith.addf %scan3A_285, %get3A_379 : vector<16xf32>
        %mul3A_381 = arith.constant 2 : i32
        %mul3A_382 = arith.muli %mul3A_381, %scan3A_277 : i32
        %add3A_383 = arith.constant 1 : i32
        %add3A_384 = arith.addi %mul3A_382, %add3A_383 : i32
        %get3A_385 = arith.constant 0 : i32
        %get3A_386 = arith.index_cast %select_n3A_23 : i32 to index
        %get3A_387 = arith.index_cast %get3A_385 : i32 to index
        %get3A_388 = arith.index_cast %add3A_384 : i32 to index
        %get3A_389 = arith.constant 0 : index
        %get3A_390 = tpu.vector_load %arg6[%get3A_386, %get3A_387, %get3A_388, %get3A_389] {strides = array<i32>} : memref<3x2x100x128xf32, #tpu.memory_space<vmem>>, vector<1x1x1x16xf32>,
        %get3A_391 = vector.shape_cast %get3A_390 : vector<1x1x1x16xf32> to vector<16xf32>
        %add3A_392 = arith.addf %add3A_296, %get3A_391 : vector<16xf32>
        %mul3A_393 = arith.constant 2 : i32
        %mul3A_394 = arith.muli %mul3A_393, %scan3A_277 : i32
        %add3A_395 = arith.constant 1 : i32
        %add3A_396 = arith.addi %mul3A_394, %add3A_395 : i32
        %get3A_397 = arith.constant 0 : i32
        %get3A_398 = arith.index_cast %select_n3A_23 : i32 to index
        %get3A_399 = arith.index_cast %get3A_397 : i32 to index
        %get3A_400 = arith.index_cast %add3A_396 : i32 to index
        %get3A_401 = arith.constant 16 : index
        %get3A_402 = tpu.vector_load %arg6[%get3A_398, %get3A_399, %get3A_400, %get3A_401] {strides = array<i32>} : memref<3x2x100x128xf32, #tpu.memory_space<vmem>>, vector<1x1x1x16xf32>,
        %get3A_403 = vector.shape_cast %get3A_402 : vector<1x1x1x16xf32> to vector<16xf32>
        %add3A_404 = arith.addf %add3A_308, %get3A_403 : vector<16xf32>
        %mul3A_405 = arith.constant 2 : i32
        %mul3A_406 = arith.muli %mul3A_405, %scan3A_277 : i32
        %add3A_407 = arith.constant 1 : i32
        %add3A_408 = arith.addi %mul3A_406, %add3A_407 : i32
        %get3A_409 = arith.constant 0 : i32
        %get3A_410 = arith.index_cast %select_n3A_23 : i32 to index
        %get3A_411 = arith.index_cast %get3A_409 : i32 to index
        %get3A_412 = arith.index_cast %add3A_408 : i32 to index
        %get3A_413 = arith.constant 32 : index
        %get3A_414 = tpu.vector_load %arg6[%get3A_410, %get3A_411, %get3A_412, %get3A_413] {strides = array<i32>} : memref<3x2x100x128xf32, #tpu.memory_space<vmem>>, vector<1x1x1x16xf32>,
        %get3A_415 = vector.shape_cast %get3A_414 : vector<1x1x1x16xf32> to vector<16xf32>
        %add3A_416 = arith.addf %add3A_320, %get3A_415 : vector<16xf32>
        %mul3A_417 = arith.constant 2 : i32
        %mul3A_418 = arith.muli %mul3A_417, %scan3A_277 : i32
        %add3A_419 = arith.constant 1 : i32
        %add3A_420 = arith.addi %mul3A_418, %add3A_419 : i32
        %get3A_421 = arith.constant 0 : i32
        %get3A_422 = arith.index_cast %select_n3A_23 : i32 to index
        %get3A_423 = arith.index_cast %get3A_421 : i32 to index
        %get3A_424 = arith.index_cast %add3A_420 : i32 to index
        %get3A_425 = arith.constant 48 : index
        %get3A_426 = tpu.vector_load %arg6[%get3A_422, %get3A_423, %get3A_424, %get3A_425] {strides = array<i32>} : memref<3x2x100x128xf32, #tpu.memory_space<vmem>>, vector<1x1x1x16xf32>,
        %get3A_427 = vector.shape_cast %get3A_426 : vector<1x1x1x16xf32> to vector<16xf32>
        %add3A_428 = arith.addf %add3A_332, %get3A_427 : vector<16xf32>
        %mul3A_429 = arith.constant 2 : i32
        %mul3A_430 = arith.muli %mul3A_429, %scan3A_277 : i32
        %add3A_431 = arith.constant 1 : i32
        %add3A_432 = arith.addi %mul3A_430, %add3A_431 : i32
        %get3A_433 = arith.constant 0 : i32
        %get3A_434 = arith.index_cast %select_n3A_23 : i32 to index
        %get3A_435 = arith.index_cast %get3A_433 : i32 to index
        %get3A_436 = arith.index_cast %add3A_432 : i32 to index
        %get3A_437 = arith.constant 64 : index
        %get3A_438 = tpu.vector_load %arg6[%get3A_434, %get3A_435, %get3A_436, %get3A_437] {strides = array<i32>} : memref<3x2x100x128xf32, #tpu.memory_space<vmem>>, vector<1x1x1x16xf32>,
        %get3A_439 = vector.shape_cast %get3A_438 : vector<1x1x1x16xf32> to vector<16xf32>
        %add3A_440 = arith.addf %add3A_344, %get3A_439 : vector<16xf32>
        %mul3A_441 = arith.constant 2 : i32
        %mul3A_442 = arith.muli %mul3A_441, %scan3A_277 : i32
        %add3A_443 = arith.constant 1 : i32
        %add3A_444 = arith.addi %mul3A_442, %add3A_443 : i32
        %get3A_445 = arith.constant 0 : i32
        %get3A_446 = arith.index_cast %select_n3A_23 : i32 to index
        %get3A_447 = arith.index_cast %get3A_445 : i32 to index
        %get3A_448 = arith.index_cast %add3A_444 : i32 to index
        %get3A_449 = arith.constant 80 : index
        %get3A_450 = tpu.vector_load %arg6[%get3A_446, %get3A_447, %get3A_448, %get3A_449] {strides = array<i32>} : memref<3x2x100x128xf32, #tpu.memory_space<vmem>>, vector<1x1x1x16xf32>,
        %get3A_451 = vector.shape_cast %get3A_450 : vector<1x1x1x16xf32> to vector<16xf32>
        %add3A_452 = arith.addf %add3A_356, %get3A_451 : vector<16xf32>
        %mul3A_453 = arith.constant 2 : i32
        %mul3A_454 = arith.muli %mul3A_453, %scan3A_277 : i32
        %add3A_455 = arith.constant 1 : i32
        %add3A_456 = arith.addi %mul3A_454, %add3A_455 : i32
        %get3A_457 = arith.constant 0 : i32
        %get3A_458 = arith.index_cast %select_n3A_23 : i32 to index
        %get3A_459 = arith.index_cast %get3A_457 : i32 to index
        %get3A_460 = arith.index_cast %add3A_456 : i32 to index
        %get3A_461 = arith.constant 96 : index
        %get3A_462 = tpu.vector_load %arg6[%get3A_458, %get3A_459, %get3A_460, %get3A_461] {strides = array<i32>} : memref<3x2x100x128xf32, #tpu.memory_space<vmem>>, vector<1x1x1x16xf32>,
        %get3A_463 = vector.shape_cast %get3A_462 : vector<1x1x1x16xf32> to vector<16xf32>
        %add3A_464 = arith.addf %add3A_368, %get3A_463 : vector<16xf32>
        %mul3A_465 = arith.constant 2 : i32
        %mul3A_466 = arith.muli %mul3A_465, %scan3A_277 : i32
        %add3A_467 = arith.constant 1 : i32
        %add3A_468 = arith.addi %mul3A_466, %add3A_467 : i32
        %get3A_469 = arith.constant 0 : i32
        %get3A_470 = arith.index_cast %select_n3A_23 : i32 to index
        %get3A_471 = arith.index_cast %get3A_469 : i32 to index
        %get3A_472 = arith.index_cast %add3A_468 : i32 to index
        %get3A_473 = arith.constant 112 : index
        %get3A_474 = tpu.vector_load %arg6[%get3A_470, %get3A_471, %get3A_472, %get3A_473] {strides = array<i32>} : memref<3x2x100x128xf32, #tpu.memory_space<vmem>>, vector<1x1x1x16xf32>,
        %get3A_475 = vector.shape_cast %get3A_474 : vector<1x1x1x16xf32> to vector<16xf32>
        %add3A_476 = arith.addf %add3A_380, %get3A_475 : vector<16xf32>
        scf.yield %add3A_392, %add3A_404, %add3A_416, %add3A_428, %add3A_440, %add3A_452, %add3A_464, %add3A_476 : vector<16xf32>, vector<16xf32>, vector<16xf32>, vector<16xf32>, vector<16xf32>, vector<16xf32>, vector<16xf32>, vector<16xf32>
      }
      %scan3A_59 = arith.constant 50 : i32
      %dma_wait3A_60 = arith.constant 0 : i32
      %dma_wait3A_61 = arith.constant 1 : i32
      %dma_wait3A_62 = arith.constant 1 : i32
      %dma_wait3A_63 = arith.constant 1 : i32
      %dma_wait3A_64 = arith.constant 0 : i32
      %dma_wait3A_65 = arith.constant 0 : i32
      %dma_wait3A_66 = tpu.memref_slice %arg6[%select_n3A_23, %dma_wait3A_62, %dma_wait3A_64, %dma_wait3A_65] : memref<3x2x100x128xf32, #tpu.memory_space<vmem>> -> memref<1x1x100x128xf32, #tpu.memory_space<vmem>>
      %dma_wait3A_67 = tpu.memref_squeeze %dma_wait3A_66 : memref<1x1x100x128xf32, #tpu.memory_space<vmem>> -> memref<100x128xf32, #tpu.memory_space<vmem>>
      %dma_wait3A_68 = arith.constant 0 : i32
      %dma_wait3A_69 = tpu.memref_slice %arg5[%dma_wait3A_60, %dma_wait3A_61, %dma_wait3A_68] : memref<128x2x100xi32, #tpu.memory_space<vmem>> -> memref<1x1x100xi32, #tpu.memory_space<vmem>>
      %dma_wait3A_70 = tpu.memref_squeeze %dma_wait3A_69 : memref<1x1x100xi32, #tpu.memory_space<vmem>> -> memref<100xi32, #tpu.memory_space<vmem>>
      %dma_wait3A_71 = arith.constant 0 : i32
      %dma_wait3A_72 = arith.constant 0 : i32
      %dma_wait3A_73 = tpu.memref_slice %arg3[%dma_wait3A_71, %dma_wait3A_72] : memref<100000x128xf32, #tpu.memory_space<hbm>> -> memref<100000x128xf32, #tpu.memory_space<hbm>>
      %dma_wait3A_74 = tpu.memref_slice %arg8[%select_n3A_23, %dma_wait3A_63] : memref<3x2x!tpu.dma_semaphore, #tpu.memory_space<semaphore_mem>> -> memref<1x1x!tpu.dma_semaphore, #tpu.memory_space<semaphore_mem>>
      %dma_wait3A_75 = tpu.memref_squeeze %dma_wait3A_74 : memref<1x1x!tpu.dma_semaphore, #tpu.memory_space<semaphore_mem>> -> memref<!tpu.dma_semaphore, #tpu.memory_space<semaphore_mem>>
      tpu.wait_indirect_dma semaphore(%dma_wait3A_75 : memref<!tpu.dma_semaphore, #tpu.memory_space<semaphore_mem>>) src(%dma_wait3A_73 : memref<100000x128xf32, #tpu.memory_space<hbm>>) dst(%dma_wait3A_67 : memref<100x128xf32, #tpu.memory_space<vmem>>)
      %scan3A_76 = arith.constant 0 : i32
      %scan3A_77 = arith.constant 50 : i32
      %scan3A_78 = arith.addi %scan3A_76, %scan3A_77 : i32
      %scan3A_79 = arith.constant 1 : i32
      %scan3A_80:8 = scf.for %scan3A_277 = %scan3A_76 to %scan3A_78 step %scan3A_79 iter_args(%scan3A_278 = %scan3A_58#0, %scan3A_279 = %scan3A_58#1, %scan3A_280 = %scan3A_58#2, %scan3A_281 = %scan3A_58#3, %scan3A_282 = %scan3A_58#4, %scan3A_283 = %scan3A_58#5, %scan3A_284 = %scan3A_58#6, %scan3A_285 = %scan3A_58#7) -> (vector<16xf32>, vector<16xf32>, vector<16xf32>, vector<16xf32>, vector<16xf32>, vector<16xf32>, vector<16xf32>, vector<16xf32>)  : i32 {
        %mul3A_286 = arith.constant 2 : i32
        %mul3A_287 = arith.muli %mul3A_286, %scan3A_277 : i32
        %add3A_288 = arith.constant 0 : i32
        %add3A_289 = arith.addi %mul3A_287, %add3A_288 : i32
        %get3A = arith.constant 1 : i32
        %get3A_290 = arith.index_cast %select_n3A_23 : i32 to index
        %get3A_291 = arith.index_cast %get3A : i32 to index
        %get3A_292 = arith.index_cast %add3A_289 : i32 to index
        %get3A_293 = arith.constant 0 : index
        %get3A_294 = tpu.vector_load %arg6[%get3A_290, %get3A_291, %get3A_292, %get3A_293] {strides = array<i32>} : memref<3x2x100x128xf32, #tpu.memory_space<vmem>>, vector<1x1x1x16xf32>,
        %get3A_295 = vector.shape_cast %get3A_294 : vector<1x1x1x16xf32> to vector<16xf32>
        %add3A_296 = arith.addf %scan3A_278, %get3A_295 : vector<16xf32>
        %mul3A_297 = arith.constant 2 : i32
        %mul3A_298 = arith.muli %mul3A_297, %scan3A_277 : i32
        %add3A_299 = arith.constant 0 : i32
        %add3A_300 = arith.addi %mul3A_298, %add3A_299 : i32
        %get3A_301 = arith.constant 1 : i32
        %get3A_302 = arith.index_cast %select_n3A_23 : i32 to index
        %get3A_303 = arith.index_cast %get3A_301 : i32 to index
        %get3A_304 = arith.index_cast %add3A_300 : i32 to index
        %get3A_305 = arith.constant 16 : index
        %get3A_306 = tpu.vector_load %arg6[%get3A_302, %get3A_303, %get3A_304, %get3A_305] {strides = array<i32>} : memref<3x2x100x128xf32, #tpu.memory_space<vmem>>, vector<1x1x1x16xf32>,
        %get3A_307 = vector.shape_cast %get3A_306 : vector<1x1x1x16xf32> to vector<16xf32>
        %add3A_308 = arith.addf %scan3A_279, %get3A_307 : vector<16xf32>
        %mul3A_309 = arith.constant 2 : i32
        %mul3A_310 = arith.muli %mul3A_309, %scan3A_277 : i32
        %add3A_311 = arith.constant 0 : i32
        %add3A_312 = arith.addi %mul3A_310, %add3A_311 : i32
        %get3A_313 = arith.constant 1 : i32
        %get3A_314 = arith.index_cast %select_n3A_23 : i32 to index
        %get3A_315 = arith.index_cast %get3A_313 : i32 to index
        %get3A_316 = arith.index_cast %add3A_312 : i32 to index
        %get3A_317 = arith.constant 32 : index
        %get3A_318 = tpu.vector_load %arg6[%get3A_314, %get3A_315, %get3A_316, %get3A_317] {strides = array<i32>} : memref<3x2x100x128xf32, #tpu.memory_space<vmem>>, vector<1x1x1x16xf32>,
        %get3A_319 = vector.shape_cast %get3A_318 : vector<1x1x1x16xf32> to vector<16xf32>
        %add3A_320 = arith.addf %scan3A_280, %get3A_319 : vector<16xf32>
        %mul3A_321 = arith.constant 2 : i32
        %mul3A_322 = arith.muli %mul3A_321, %scan3A_277 : i32
        %add3A_323 = arith.constant 0 : i32
        %add3A_324 = arith.addi %mul3A_322, %add3A_323 : i32
        %get3A_325 = arith.constant 1 : i32
        %get3A_326 = arith.index_cast %select_n3A_23 : i32 to index
        %get3A_327 = arith.index_cast %get3A_325 : i32 to index
        %get3A_328 = arith.index_cast %add3A_324 : i32 to index
        %get3A_329 = arith.constant 48 : index
        %get3A_330 = tpu.vector_load %arg6[%get3A_326, %get3A_327, %get3A_328, %get3A_329] {strides = array<i32>} : memref<3x2x100x128xf32, #tpu.memory_space<vmem>>, vector<1x1x1x16xf32>,
        %get3A_331 = vector.shape_cast %get3A_330 : vector<1x1x1x16xf32> to vector<16xf32>
        %add3A_332 = arith.addf %scan3A_281, %get3A_331 : vector<16xf32>
        %mul3A_333 = arith.constant 2 : i32
        %mul3A_334 = arith.muli %mul3A_333, %scan3A_277 : i32
        %add3A_335 = arith.constant 0 : i32
        %add3A_336 = arith.addi %mul3A_334, %add3A_335 : i32
        %get3A_337 = arith.constant 1 : i32
        %get3A_338 = arith.index_cast %select_n3A_23 : i32 to index
        %get3A_339 = arith.index_cast %get3A_337 : i32 to index
        %get3A_340 = arith.index_cast %add3A_336 : i32 to index
        %get3A_341 = arith.constant 64 : index
        %get3A_342 = tpu.vector_load %arg6[%get3A_338, %get3A_339, %get3A_340, %get3A_341] {strides = array<i32>} : memref<3x2x100x128xf32, #tpu.memory_space<vmem>>, vector<1x1x1x16xf32>,
        %get3A_343 = vector.shape_cast %get3A_342 : vector<1x1x1x16xf32> to vector<16xf32>
        %add3A_344 = arith.addf %scan3A_282, %get3A_343 : vector<16xf32>
        %mul3A_345 = arith.constant 2 : i32
        %mul3A_346 = arith.muli %mul3A_345, %scan3A_277 : i32
        %add3A_347 = arith.constant 0 : i32
        %add3A_348 = arith.addi %mul3A_346, %add3A_347 : i32
        %get3A_349 = arith.constant 1 : i32
        %get3A_350 = arith.index_cast %select_n3A_23 : i32 to index
        %get3A_351 = arith.index_cast %get3A_349 : i32 to index
        %get3A_352 = arith.index_cast %add3A_348 : i32 to index
        %get3A_353 = arith.constant 80 : index
        %get3A_354 = tpu.vector_load %arg6[%get3A_350, %get3A_351, %get3A_352, %get3A_353] {strides = array<i32>} : memref<3x2x100x128xf32, #tpu.memory_space<vmem>>, vector<1x1x1x16xf32>,
        %get3A_355 = vector.shape_cast %get3A_354 : vector<1x1x1x16xf32> to vector<16xf32>
        %add3A_356 = arith.addf %scan3A_283, %get3A_355 : vector<16xf32>
        %mul3A_357 = arith.constant 2 : i32
        %mul3A_358 = arith.muli %mul3A_357, %scan3A_277 : i32
        %add3A_359 = arith.constant 0 : i32
        %add3A_360 = arith.addi %mul3A_358, %add3A_359 : i32
        %get3A_361 = arith.constant 1 : i32
        %get3A_362 = arith.index_cast %select_n3A_23 : i32 to index
        %get3A_363 = arith.index_cast %get3A_361 : i32 to index
        %get3A_364 = arith.index_cast %add3A_360 : i32 to index
        %get3A_365 = arith.constant 96 : index
        %get3A_366 = tpu.vector_load %arg6[%get3A_362, %get3A_363, %get3A_364, %get3A_365] {strides = array<i32>} : memref<3x2x100x128xf32, #tpu.memory_space<vmem>>, vector<1x1x1x16xf32>,
        %get3A_367 = vector.shape_cast %get3A_366 : vector<1x1x1x16xf32> to vector<16xf32>
        %add3A_368 = arith.addf %scan3A_284, %get3A_367 : vector<16xf32>
        %mul3A_369 = arith.constant 2 : i32
        %mul3A_370 = arith.muli %mul3A_369, %scan3A_277 : i32
        %add3A_371 = arith.constant 0 : i32
        %add3A_372 = arith.addi %mul3A_370, %add3A_371 : i32
        %get3A_373 = arith.constant 1 : i32
        %get3A_374 = arith.index_cast %select_n3A_23 : i32 to index
        %get3A_375 = arith.index_cast %get3A_373 : i32 to index
        %get3A_376 = arith.index_cast %add3A_372 : i32 to index
        %get3A_377 = arith.constant 112 : index
        %get3A_378 = tpu.vector_load %arg6[%get3A_374, %get3A_375, %get3A_376, %get3A_377] {strides = array<i32>} : memref<3x2x100x128xf32, #tpu.memory_space<vmem>>, vector<1x1x1x16xf32>,
        %get3A_379 = vector.shape_cast %get3A_378 : vector<1x1x1x16xf32> to vector<16xf32>
        %add3A_380 = arith.addf %scan3A_285, %get3A_379 : vector<16xf32>
        %mul3A_381 = arith.constant 2 : i32
        %mul3A_382 = arith.muli %mul3A_381, %scan3A_277 : i32
        %add3A_383 = arith.constant 1 : i32
        %add3A_384 = arith.addi %mul3A_382, %add3A_383 : i32
        %get3A_385 = arith.constant 1 : i32
        %get3A_386 = arith.index_cast %select_n3A_23 : i32 to index
        %get3A_387 = arith.index_cast %get3A_385 : i32 to index
        %get3A_388 = arith.index_cast %add3A_384 : i32 to index
        %get3A_389 = arith.constant 0 : index
        %get3A_390 = tpu.vector_load %arg6[%get3A_386, %get3A_387, %get3A_388, %get3A_389] {strides = array<i32>} : memref<3x2x100x128xf32, #tpu.memory_space<vmem>>, vector<1x1x1x16xf32>,
        %get3A_391 = vector.shape_cast %get3A_390 : vector<1x1x1x16xf32> to vector<16xf32>
        %add3A_392 = arith.addf %add3A_296, %get3A_391 : vector<16xf32>
        %mul3A_393 = arith.constant 2 : i32
        %mul3A_394 = arith.muli %mul3A_393, %scan3A_277 : i32
        %add3A_395 = arith.constant 1 : i32
        %add3A_396 = arith.addi %mul3A_394, %add3A_395 : i32
        %get3A_397 = arith.constant 1 : i32
        %get3A_398 = arith.index_cast %select_n3A_23 : i32 to index
        %get3A_399 = arith.index_cast %get3A_397 : i32 to index
        %get3A_400 = arith.index_cast %add3A_396 : i32 to index
        %get3A_401 = arith.constant 16 : index
        %get3A_402 = tpu.vector_load %arg6[%get3A_398, %get3A_399, %get3A_400, %get3A_401] {strides = array<i32>} : memref<3x2x100x128xf32, #tpu.memory_space<vmem>>, vector<1x1x1x16xf32>,
        %get3A_403 = vector.shape_cast %get3A_402 : vector<1x1x1x16xf32> to vector<16xf32>
        %add3A_404 = arith.addf %add3A_308, %get3A_403 : vector<16xf32>
        %mul3A_405 = arith.constant 2 : i32
        %mul3A_406 = arith.muli %mul3A_405, %scan3A_277 : i32
        %add3A_407 = arith.constant 1 : i32
        %add3A_408 = arith.addi %mul3A_406, %add3A_407 : i32
        %get3A_409 = arith.constant 1 : i32
        %get3A_410 = arith.index_cast %select_n3A_23 : i32 to index
        %get3A_411 = arith.index_cast %get3A_409 : i32 to index
        %get3A_412 = arith.index_cast %add3A_408 : i32 to index
        %get3A_413 = arith.constant 32 : index
        %get3A_414 = tpu.vector_load %arg6[%get3A_410, %get3A_411, %get3A_412, %get3A_413] {strides = array<i32>} : memref<3x2x100x128xf32, #tpu.memory_space<vmem>>, vector<1x1x1x16xf32>,
        %get3A_415 = vector.shape_cast %get3A_414 : vector<1x1x1x16xf32> to vector<16xf32>
        %add3A_416 = arith.addf %add3A_320, %get3A_415 : vector<16xf32>
        %mul3A_417 = arith.constant 2 : i32
        %mul3A_418 = arith.muli %mul3A_417, %scan3A_277 : i32
        %add3A_419 = arith.constant 1 : i32
        %add3A_420 = arith.addi %mul3A_418, %add3A_419 : i32
        %get3A_421 = arith.constant 1 : i32
        %get3A_422 = arith.index_cast %select_n3A_23 : i32 to index
        %get3A_423 = arith.index_cast %get3A_421 : i32 to index
        %get3A_424 = arith.index_cast %add3A_420 : i32 to index
        %get3A_425 = arith.constant 48 : index
        %get3A_426 = tpu.vector_load %arg6[%get3A_422, %get3A_423, %get3A_424, %get3A_425] {strides = array<i32>} : memref<3x2x100x128xf32, #tpu.memory_space<vmem>>, vector<1x1x1x16xf32>,
        %get3A_427 = vector.shape_cast %get3A_426 : vector<1x1x1x16xf32> to vector<16xf32>
        %add3A_428 = arith.addf %add3A_332, %get3A_427 : vector<16xf32>
        %mul3A_429 = arith.constant 2 : i32
        %mul3A_430 = arith.muli %mul3A_429, %scan3A_277 : i32
        %add3A_431 = arith.constant 1 : i32
        %add3A_432 = arith.addi %mul3A_430, %add3A_431 : i32
        %get3A_433 = arith.constant 1 : i32
        %get3A_434 = arith.index_cast %select_n3A_23 : i32 to index
        %get3A_435 = arith.index_cast %get3A_433 : i32 to index
        %get3A_436 = arith.index_cast %add3A_432 : i32 to index
        %get3A_437 = arith.constant 64 : index
        %get3A_438 = tpu.vector_load %arg6[%get3A_434, %get3A_435, %get3A_436, %get3A_437] {strides = array<i32>} : memref<3x2x100x128xf32, #tpu.memory_space<vmem>>, vector<1x1x1x16xf32>,
        %get3A_439 = vector.shape_cast %get3A_438 : vector<1x1x1x16xf32> to vector<16xf32>
        %add3A_440 = arith.addf %add3A_344, %get3A_439 : vector<16xf32>
        %mul3A_441 = arith.constant 2 : i32
        %mul3A_442 = arith.muli %mul3A_441, %scan3A_277 : i32
        %add3A_443 = arith.constant 1 : i32
        %add3A_444 = arith.addi %mul3A_442, %add3A_443 : i32
        %get3A_445 = arith.constant 1 : i32
        %get3A_446 = arith.index_cast %select_n3A_23 : i32 to index
        %get3A_447 = arith.index_cast %get3A_445 : i32 to index
        %get3A_448 = arith.index_cast %add3A_444 : i32 to index
        %get3A_449 = arith.constant 80 : index
        %get3A_450 = tpu.vector_load %arg6[%get3A_446, %get3A_447, %get3A_448, %get3A_449] {strides = array<i32>} : memref<3x2x100x128xf32, #tpu.memory_space<vmem>>, vector<1x1x1x16xf32>,
        %get3A_451 = vector.shape_cast %get3A_450 : vector<1x1x1x16xf32> to vector<16xf32>
        %add3A_452 = arith.addf %add3A_356, %get3A_451 : vector<16xf32>
        %mul3A_453 = arith.constant 2 : i32
        %mul3A_454 = arith.muli %mul3A_453, %scan3A_277 : i32
        %add3A_455 = arith.constant 1 : i32
        %add3A_456 = arith.addi %mul3A_454, %add3A_455 : i32
        %get3A_457 = arith.constant 1 : i32
        %get3A_458 = arith.index_cast %select_n3A_23 : i32 to index
        %get3A_459 = arith.index_cast %get3A_457 : i32 to index
        %get3A_460 = arith.index_cast %add3A_456 : i32 to index
        %get3A_461 = arith.constant 96 : index
        %get3A_462 = tpu.vector_load %arg6[%get3A_458, %get3A_459, %get3A_460, %get3A_461] {strides = array<i32>} : memref<3x2x100x128xf32, #tpu.memory_space<vmem>>, vector<1x1x1x16xf32>,
        %get3A_463 = vector.shape_cast %get3A_462 : vector<1x1x1x16xf32> to vector<16xf32>
        %add3A_464 = arith.addf %add3A_368, %get3A_463 : vector<16xf32>
        %mul3A_465 = arith.constant 2 : i32
        %mul3A_466 = arith.muli %mul3A_465, %scan3A_277 : i32
        %add3A_467 = arith.constant 1 : i32
        %add3A_468 = arith.addi %mul3A_466, %add3A_467 : i32
        %get3A_469 = arith.constant 1 : i32
        %get3A_470 = arith.index_cast %select_n3A_23 : i32 to index
        %get3A_471 = arith.index_cast %get3A_469 : i32 to index
        %get3A_472 = arith.index_cast %add3A_468 : i32 to index
        %get3A_473 = arith.constant 112 : index
        %get3A_474 = tpu.vector_load %arg6[%get3A_470, %get3A_471, %get3A_472, %get3A_473] {strides = array<i32>} : memref<3x2x100x128xf32, #tpu.memory_space<vmem>>, vector<1x1x1x16xf32>,
        %get3A_475 = vector.shape_cast %get3A_474 : vector<1x1x1x16xf32> to vector<16xf32>
        %add3A_476 = arith.addf %add3A_380, %get3A_475 : vector<16xf32>
        scf.yield %add3A_392, %add3A_404, %add3A_416, %add3A_428, %add3A_440, %add3A_452, %add3A_464, %add3A_476 : vector<16xf32>, vector<16xf32>, vector<16xf32>, vector<16xf32>, vector<16xf32>, vector<16xf32>, vector<16xf32>, vector<16xf32>
      }
      %scan3A_81 = arith.constant 50 : i32
      %jit3A_82 = arith.constant 16 : i32
      %eq3A_83 = arith.constant 0 : i32
      %eq3A_84 = arith.cmpi eq, %jit3A_82, %eq3A_83 : i32
      %jit3A_85 = arith.constant 1 : i32
      %select_n3A_86 = arith.select %eq3A_84, %jit3A_85, %jit3A_82 : i32
      %rem3A_87 = arith.remsi %scan3A_14, %select_n3A_86 : i32
      %ne3A_88 = arith.constant 0 : i32
      %ne3A_89 = arith.cmpi ne, %rem3A_87, %ne3A_88 : i32
      %lt3A_90 = arith.constant 0 : i32
      %lt3A_91 = arith.cmpi slt, %rem3A_87, %lt3A_90 : i32
      %lt3A_92 = arith.constant 0 : i32
      %lt3A_93 = arith.cmpi slt, %select_n3A_86, %lt3A_92 : i32
      %ne3A_94 = arith.xori %lt3A_91, %lt3A_93 : i1
      %and3A_95 = arith.andi %ne3A_94, %ne3A_89 : i1
      %add3A_96 = arith.addi %rem3A_87, %select_n3A_86 : i32
      %select_n3A_97 = arith.select %and3A_95, %add3A_96, %rem3A_87 : i32
      %swap3A = arith.index_cast %select_n3A_97 : i32 to index
      %swap3A_98 = arith.constant 0 : index
      %swap3A_99 = tpu.vector_load %arg7[%swap3A, %swap3A_98] {strides = array<i32>} : memref<16x128xf32, #tpu.memory_space<vmem>>, vector<1x16xf32>,
      %swap3A_100 = vector.shape_cast %swap3A_99 : vector<1x16xf32> to vector<16xf32>
      %swap3A_101 = vector.shape_cast %scan3A_80#0 : vector<16xf32> to vector<1x16xf32>
      tpu.vector_store %arg7[%swap3A, %swap3A_98], %swap3A_101 {strides = array<i32>} : memref<16x128xf32, #tpu.memory_space<vmem>>, vector<1x16xf32>,
      %jit3A_102 = arith.constant 16 : i32
      %eq3A_103 = arith.constant 0 : i32
      %eq3A_104 = arith.cmpi eq, %jit3A_102, %eq3A_103 : i32
      %jit3A_105 = arith.constant 1 : i32
      %select_n3A_106 = arith.select %eq3A_104, %jit3A_105, %jit3A_102 : i32
      %rem3A_107 = arith.remsi %scan3A_14, %select_n3A_106 : i32
      %ne3A_108 = arith.constant 0 : i32
      %ne3A_109 = arith.cmpi ne, %rem3A_107, %ne3A_108 : i32
      %lt3A_110 = arith.constant 0 : i32
      %lt3A_111 = arith.cmpi slt, %rem3A_107, %lt3A_110 : i32
      %lt3A_112 = arith.constant 0 : i32
      %lt3A_113 = arith.cmpi slt, %select_n3A_106, %lt3A_112 : i32
      %ne3A_114 = arith.xori %lt3A_111, %lt3A_113 : i1
      %and3A_115 = arith.andi %ne3A_114, %ne3A_109 : i1
      %add3A_116 = arith.addi %rem3A_107, %select_n3A_106 : i32
      %select_n3A_117 = arith.select %and3A_115, %add3A_116, %rem3A_107 : i32
      %swap3A_118 = arith.index_cast %select_n3A_117 : i32 to index
      %swap3A_119 = arith.constant 16 : index
      %swap3A_120 = tpu.vector_load %arg7[%swap3A_118, %swap3A_119] {strides = array<i32>} : memref<16x128xf32, #tpu.memory_space<vmem>>, vector<1x16xf32>,
      %swap3A_121 = vector.shape_cast %swap3A_120 : vector<1x16xf32> to vector<16xf32>
      %swap3A_122 = vector.shape_cast %scan3A_80#1 : vector<16xf32> to vector<1x16xf32>
      tpu.vector_store %arg7[%swap3A_118, %swap3A_119], %swap3A_122 {strides = array<i32>} : memref<16x128xf32, #tpu.memory_space<vmem>>, vector<1x16xf32>,
      %jit3A_123 = arith.constant 16 : i32
      %eq3A_124 = arith.constant 0 : i32
      %eq3A_125 = arith.cmpi eq, %jit3A_123, %eq3A_124 : i32
      %jit3A_126 = arith.constant 1 : i32
      %select_n3A_127 = arith.select %eq3A_125, %jit3A_126, %jit3A_123 : i32
      %rem3A_128 = arith.remsi %scan3A_14, %select_n3A_127 : i32
      %ne3A_129 = arith.constant 0 : i32
      %ne3A_130 = arith.cmpi ne, %rem3A_128, %ne3A_129 : i32
      %lt3A_131 = arith.constant 0 : i32
      %lt3A_132 = arith.cmpi slt, %rem3A_128, %lt3A_131 : i32
      %lt3A_133 = arith.constant 0 : i32
      %lt3A_134 = arith.cmpi slt, %select_n3A_127, %lt3A_133 : i32
      %ne3A_135 = arith.xori %lt3A_132, %lt3A_134 : i1
      %and3A_136 = arith.andi %ne3A_135, %ne3A_130 : i1
      %add3A_137 = arith.addi %rem3A_128, %select_n3A_127 : i32
      %select_n3A_138 = arith.select %and3A_136, %add3A_137, %rem3A_128 : i32
      %swap3A_139 = arith.index_cast %select_n3A_138 : i32 to index
      %swap3A_140 = arith.constant 32 : index
      %swap3A_141 = tpu.vector_load %arg7[%swap3A_139, %swap3A_140] {strides = array<i32>} : memref<16x128xf32, #tpu.memory_space<vmem>>, vector<1x16xf32>,
      %swap3A_142 = vector.shape_cast %swap3A_141 : vector<1x16xf32> to vector<16xf32>
      %swap3A_143 = vector.shape_cast %scan3A_80#2 : vector<16xf32> to vector<1x16xf32>
      tpu.vector_store %arg7[%swap3A_139, %swap3A_140], %swap3A_143 {strides = array<i32>} : memref<16x128xf32, #tpu.memory_space<vmem>>, vector<1x16xf32>,
      %jit3A_144 = arith.constant 16 : i32
      %eq3A_145 = arith.constant 0 : i32
      %eq3A_146 = arith.cmpi eq, %jit3A_144, %eq3A_145 : i32
      %jit3A_147 = arith.constant 1 : i32
      %select_n3A_148 = arith.select %eq3A_146, %jit3A_147, %jit3A_144 : i32
      %rem3A_149 = arith.remsi %scan3A_14, %select_n3A_148 : i32
      %ne3A_150 = arith.constant 0 : i32
      %ne3A_151 = arith.cmpi ne, %rem3A_149, %ne3A_150 : i32
      %lt3A_152 = arith.constant 0 : i32
      %lt3A_153 = arith.cmpi slt, %rem3A_149, %lt3A_152 : i32
      %lt3A_154 = arith.constant 0 : i32
      %lt3A_155 = arith.cmpi slt, %select_n3A_148, %lt3A_154 : i32
      %ne3A_156 = arith.xori %lt3A_153, %lt3A_155 : i1
      %and3A_157 = arith.andi %ne3A_156, %ne3A_151 : i1
      %add3A_158 = arith.addi %rem3A_149, %select_n3A_148 : i32
      %select_n3A_159 = arith.select %and3A_157, %add3A_158, %rem3A_149 : i32
      %swap3A_160 = arith.index_cast %select_n3A_159 : i32 to index
      %swap3A_161 = arith.constant 48 : index
      %swap3A_162 = tpu.vector_load %arg7[%swap3A_160, %swap3A_161] {strides = array<i32>} : memref<16x128xf32, #tpu.memory_space<vmem>>, vector<1x16xf32>,
      %swap3A_163 = vector.shape_cast %swap3A_162 : vector<1x16xf32> to vector<16xf32>
      %swap3A_164 = vector.shape_cast %scan3A_80#3 : vector<16xf32> to vector<1x16xf32>
      tpu.vector_store %arg7[%swap3A_160, %swap3A_161], %swap3A_164 {strides = array<i32>} : memref<16x128xf32, #tpu.memory_space<vmem>>, vector<1x16xf32>,
      %jit3A_165 = arith.constant 16 : i32
      %eq3A_166 = arith.constant 0 : i32
      %eq3A_167 = arith.cmpi eq, %jit3A_165, %eq3A_166 : i32
      %jit3A_168 = arith.constant 1 : i32
      %select_n3A_169 = arith.select %eq3A_167, %jit3A_168, %jit3A_165 : i32
      %rem3A_170 = arith.remsi %scan3A_14, %select_n3A_169 : i32
      %ne3A_171 = arith.constant 0 : i32
      %ne3A_172 = arith.cmpi ne, %rem3A_170, %ne3A_171 : i32
      %lt3A_173 = arith.constant 0 : i32
      %lt3A_174 = arith.cmpi slt, %rem3A_170, %lt3A_173 : i32
      %lt3A_175 = arith.constant 0 : i32
      %lt3A_176 = arith.cmpi slt, %select_n3A_169, %lt3A_175 : i32
      %ne3A_177 = arith.xori %lt3A_174, %lt3A_176 : i1
      %and3A_178 = arith.andi %ne3A_177, %ne3A_172 : i1
      %add3A_179 = arith.addi %rem3A_170, %select_n3A_169 : i32
      %select_n3A_180 = arith.select %and3A_178, %add3A_179, %rem3A_170 : i32
      %swap3A_181 = arith.index_cast %select_n3A_180 : i32 to index
      %swap3A_182 = arith.constant 64 : index
      %swap3A_183 = tpu.vector_load %arg7[%swap3A_181, %swap3A_182] {strides = array<i32>} : memref<16x128xf32, #tpu.memory_space<vmem>>, vector<1x16xf32>,
      %swap3A_184 = vector.shape_cast %swap3A_183 : vector<1x16xf32> to vector<16xf32>
      %swap3A_185 = vector.shape_cast %scan3A_80#4 : vector<16xf32> to vector<1x16xf32>
      tpu.vector_store %arg7[%swap3A_181, %swap3A_182], %swap3A_185 {strides = array<i32>} : memref<16x128xf32, #tpu.memory_space<vmem>>, vector<1x16xf32>,
      %jit3A_186 = arith.constant 16 : i32
      %eq3A_187 = arith.constant 0 : i32
      %eq3A_188 = arith.cmpi eq, %jit3A_186, %eq3A_187 : i32
      %jit3A_189 = arith.constant 1 : i32
      %select_n3A_190 = arith.select %eq3A_188, %jit3A_189, %jit3A_186 : i32
      %rem3A_191 = arith.remsi %scan3A_14, %select_n3A_190 : i32
      %ne3A_192 = arith.constant 0 : i32
      %ne3A_193 = arith.cmpi ne, %rem3A_191, %ne3A_192 : i32
      %lt3A_194 = arith.constant 0 : i32
      %lt3A_195 = arith.cmpi slt, %rem3A_191, %lt3A_194 : i32
      %lt3A_196 = arith.constant 0 : i32
      %lt3A_197 = arith.cmpi slt, %select_n3A_190, %lt3A_196 : i32
      %ne3A_198 = arith.xori %lt3A_195, %lt3A_197 : i1
      %and3A_199 = arith.andi %ne3A_198, %ne3A_193 : i1
      %add3A_200 = arith.addi %rem3A_191, %select_n3A_190 : i32
      %select_n3A_201 = arith.select %and3A_199, %add3A_200, %rem3A_191 : i32
      %swap3A_202 = arith.index_cast %select_n3A_201 : i32 to index
      %swap3A_203 = arith.constant 80 : index
      %swap3A_204 = tpu.vector_load %arg7[%swap3A_202, %swap3A_203] {strides = array<i32>} : memref<16x128xf32, #tpu.memory_space<vmem>>, vector<1x16xf32>,
      %swap3A_205 = vector.shape_cast %swap3A_204 : vector<1x16xf32> to vector<16xf32>
      %swap3A_206 = vector.shape_cast %scan3A_80#5 : vector<16xf32> to vector<1x16xf32>
      tpu.vector_store %arg7[%swap3A_202, %swap3A_203], %swap3A_206 {strides = array<i32>} : memref<16x128xf32, #tpu.memory_space<vmem>>, vector<1x16xf32>,
      %jit3A_207 = arith.constant 16 : i32
      %eq3A_208 = arith.constant 0 : i32
      %eq3A_209 = arith.cmpi eq, %jit3A_207, %eq3A_208 : i32
      %jit3A_210 = arith.constant 1 : i32
      %select_n3A_211 = arith.select %eq3A_209, %jit3A_210, %jit3A_207 : i32
      %rem3A_212 = arith.remsi %scan3A_14, %select_n3A_211 : i32
      %ne3A_213 = arith.constant 0 : i32
      %ne3A_214 = arith.cmpi ne, %rem3A_212, %ne3A_213 : i32
      %lt3A_215 = arith.constant 0 : i32
      %lt3A_216 = arith.cmpi slt, %rem3A_212, %lt3A_215 : i32
      %lt3A_217 = arith.constant 0 : i32
      %lt3A_218 = arith.cmpi slt, %select_n3A_211, %lt3A_217 : i32
      %ne3A_219 = arith.xori %lt3A_216, %lt3A_218 : i1
      %and3A_220 = arith.andi %ne3A_219, %ne3A_214 : i1
      %add3A_221 = arith.addi %rem3A_212, %select_n3A_211 : i32
      %select_n3A_222 = arith.select %and3A_220, %add3A_221, %rem3A_212 : i32
      %swap3A_223 = arith.index_cast %select_n3A_222 : i32 to index
      %swap3A_224 = arith.constant 96 : index
      %swap3A_225 = tpu.vector_load %arg7[%swap3A_223, %swap3A_224] {strides = array<i32>} : memref<16x128xf32, #tpu.memory_space<vmem>>, vector<1x16xf32>,
      %swap3A_226 = vector.shape_cast %swap3A_225 : vector<1x16xf32> to vector<16xf32>
      %swap3A_227 = vector.shape_cast %scan3A_80#6 : vector<16xf32> to vector<1x16xf32>
      tpu.vector_store %arg7[%swap3A_223, %swap3A_224], %swap3A_227 {strides = array<i32>} : memref<16x128xf32, #tpu.memory_space<vmem>>, vector<1x16xf32>,
      %jit3A_228 = arith.constant 16 : i32
      %eq3A_229 = arith.constant 0 : i32
      %eq3A_230 = arith.cmpi eq, %jit3A_228, %eq3A_229 : i32
      %jit3A_231 = arith.constant 1 : i32
      %select_n3A_232 = arith.select %eq3A_230, %jit3A_231, %jit3A_228 : i32
      %rem3A_233 = arith.remsi %scan3A_14, %select_n3A_232 : i32
      %ne3A_234 = arith.constant 0 : i32
      %ne3A_235 = arith.cmpi ne, %rem3A_233, %ne3A_234 : i32
      %lt3A_236 = arith.constant 0 : i32
      %lt3A_237 = arith.cmpi slt, %rem3A_233, %lt3A_236 : i32
      %lt3A_238 = arith.constant 0 : i32
      %lt3A_239 = arith.cmpi slt, %select_n3A_232, %lt3A_238 : i32
      %ne3A_240 = arith.xori %lt3A_237, %lt3A_239 : i1
      %and3A_241 = arith.andi %ne3A_240, %ne3A_235 : i1
      %add3A_242 = arith.addi %rem3A_233, %select_n3A_232 : i32
      %select_n3A_243 = arith.select %and3A_241, %add3A_242, %rem3A_233 : i32
      %swap3A_244 = arith.index_cast %select_n3A_243 : i32 to index
      %swap3A_245 = arith.constant 112 : index
      %swap3A_246 = tpu.vector_load %arg7[%swap3A_244, %swap3A_245] {strides = array<i32>} : memref<16x128xf32, #tpu.memory_space<vmem>>, vector<1x16xf32>,
      %swap3A_247 = vector.shape_cast %swap3A_246 : vector<1x16xf32> to vector<16xf32>
      %swap3A_248 = vector.shape_cast %scan3A_80#7 : vector<16xf32> to vector<1x16xf32>
      tpu.vector_store %arg7[%swap3A_244, %swap3A_245], %swap3A_248 {strides = array<i32>} : memref<16x128xf32, #tpu.memory_space<vmem>>, vector<1x16xf32>,
      %add3A_249 = arith.constant 3 : i32
      %add3A_250 = arith.addi %scan3A_14, %add3A_249 : i32
      %lt3A_251 = arith.constant 128 : i32
      %lt3A_252 = arith.cmpi slt, %add3A_250, %lt3A_251 : i32
      %convert_element_type3A = arith.extui %lt3A_252 : i1 to i32
      %cond3A = arith.constant 0 : i32
      %cond3A_253 = arith.cmpi ne, %convert_element_type3A, %cond3A : i32
      scf.if %cond3A_253 {
        %add3A_277 = arith.constant 3 : i32
        %add3A_278 = arith.addi %scan3A_14, %add3A_277 : i32
        %dma_start3A = arith.constant 0 : i32
        %dma_start3A_279 = arith.constant 0 : i32
        %dma_start3A_280 = arith.constant 0 : i32
        %dma_start3A_281 = arith.constant 0 : i32
        %dma_start3A_282 = arith.constant 0 : i32
        %dma_start3A_283 = tpu.memref_slice %arg6[%select_n3A_23, %dma_start3A_279, %dma_start3A_281, %dma_start3A_282] : memref<3x2x100x128xf32, #tpu.memory_space<vmem>> -> memref<1x1x100x128xf32, #tpu.memory_space<vmem>>
        %dma_start3A_284 = tpu.memref_squeeze %dma_start3A_283 : memref<1x1x100x128xf32, #tpu.memory_space<vmem>> -> memref<100x128xf32, #tpu.memory_space<vmem>>
        %dma_start3A_285 = arith.constant 0 : i32
        %dma_start3A_286 = tpu.memref_slice %arg5[%add3A_278, %dma_start3A, %dma_start3A_285] : memref<128x2x100xi32, #tpu.memory_space<vmem>> -> memref<1x1x100xi32, #tpu.memory_space<vmem>>
        %dma_start3A_287 = tpu.memref_squeeze %dma_start3A_286 : memref<1x1x100xi32, #tpu.memory_space<vmem>> -> memref<100xi32, #tpu.memory_space<vmem>>
        %dma_start3A_288 = arith.constant 0 : i32
        %dma_start3A_289 = arith.constant 0 : i32
        %dma_start3A_290 = tpu.memref_slice %arg3[%dma_start3A_288, %dma_start3A_289] : memref<100000x128xf32, #tpu.memory_space<hbm>> -> memref<100000x128xf32, #tpu.memory_space<hbm>>
        %dma_start3A_291 = tpu.memref_slice %arg8[%select_n3A_23, %dma_start3A_280] : memref<3x2x!tpu.dma_semaphore, #tpu.memory_space<semaphore_mem>> -> memref<1x1x!tpu.dma_semaphore, #tpu.memory_space<semaphore_mem>>
        %dma_start3A_292 = tpu.memref_squeeze %dma_start3A_291 : memref<1x1x!tpu.dma_semaphore, #tpu.memory_space<semaphore_mem>> -> memref<!tpu.dma_semaphore, #tpu.memory_space<semaphore_mem>>
        tpu.enqueue_indirect_dma source(%dma_start3A_290 : memref<100000x128xf32, #tpu.memory_space<hbm>>) target(%dma_start3A_284 : memref<100x128xf32, #tpu.memory_space<vmem>>) offsets(%dma_start3A_287 : memref<100xi32, #tpu.memory_space<vmem>>) semaphore(%dma_start3A_292 : memref<!tpu.dma_semaphore, #tpu.memory_space<semaphore_mem>>)
        %dma_start3A_293 = arith.constant 1 : i32
        %dma_start3A_294 = arith.constant 1 : i32
        %dma_start3A_295 = arith.constant 1 : i32
        %dma_start3A_296 = arith.constant 0 : i32
        %dma_start3A_297 = arith.constant 0 : i32
        %dma_start3A_298 = tpu.memref_slice %arg6[%select_n3A_23, %dma_start3A_294, %dma_start3A_296, %dma_start3A_297] : memref<3x2x100x128xf32, #tpu.memory_space<vmem>> -> memref<1x1x100x128xf32, #tpu.memory_space<vmem>>
        %dma_start3A_299 = tpu.memref_squeeze %dma_start3A_298 : memref<1x1x100x128xf32, #tpu.memory_space<vmem>> -> memref<100x128xf32, #tpu.memory_space<vmem>>
        %dma_start3A_300 = arith.constant 0 : i32
        %dma_start3A_301 = tpu.memref_slice %arg5[%add3A_278, %dma_start3A_293, %dma_start3A_300] : memref<128x2x100xi32, #tpu.memory_space<vmem>> -> memref<1x1x100xi32, #tpu.memory_space<vmem>>
        %dma_start3A_302 = tpu.memref_squeeze %dma_start3A_301 : memref<1x1x100xi32, #tpu.memory_space<vmem>> -> memref<100xi32, #tpu.memory_space<vmem>>
        %dma_start3A_303 = arith.constant 0 : i32
        %dma_start3A_304 = arith.constant 0 : i32
        %dma_start3A_305 = tpu.memref_slice %arg3[%dma_start3A_303, %dma_start3A_304] : memref<100000x128xf32, #tpu.memory_space<hbm>> -> memref<100000x128xf32, #tpu.memory_space<hbm>>
        %dma_start3A_306 = tpu.memref_slice %arg8[%select_n3A_23, %dma_start3A_295] : memref<3x2x!tpu.dma_semaphore, #tpu.memory_space<semaphore_mem>> -> memref<1x1x!tpu.dma_semaphore, #tpu.memory_space<semaphore_mem>>
        %dma_start3A_307 = tpu.memref_squeeze %dma_start3A_306 : memref<1x1x!tpu.dma_semaphore, #tpu.memory_space<semaphore_mem>> -> memref<!tpu.dma_semaphore, #tpu.memory_space<semaphore_mem>>
        tpu.enqueue_indirect_dma source(%dma_start3A_305 : memref<100000x128xf32, #tpu.memory_space<hbm>>) target(%dma_start3A_299 : memref<100x128xf32, #tpu.memory_space<vmem>>) offsets(%dma_start3A_302 : memref<100xi32, #tpu.memory_space<vmem>>) semaphore(%dma_start3A_307 : memref<!tpu.dma_semaphore, #tpu.memory_space<semaphore_mem>>)
      } else {
      }
      %add3A_254 = arith.constant 1 : i32
      %add3A_255 = arith.addi %scan3A_14, %add3A_254 : i32
      %jit3A_256 = arith.constant 16 : i32
      %eq3A_257 = arith.constant 0 : i32
      %eq3A_258 = arith.cmpi eq, %jit3A_256, %eq3A_257 : i32
      %jit3A_259 = arith.constant 1 : i32
      %select_n3A_260 = arith.select %eq3A_258, %jit3A_259, %jit3A_256 : i32
      %rem3A_261 = arith.remsi %add3A_255, %select_n3A_260 : i32
      %ne3A_262 = arith.constant 0 : i32
      %ne3A_263 = arith.cmpi ne, %rem3A_261, %ne3A_262 : i32
      %lt3A_264 = arith.constant 0 : i32
      %lt3A_265 = arith.cmpi slt, %rem3A_261, %lt3A_264 : i32
      %lt3A_266 = arith.constant 0 : i32
      %lt3A_267 = arith.cmpi slt, %select_n3A_260, %lt3A_266 : i32
      %ne3A_268 = arith.xori %lt3A_265, %lt3A_267 : i1
      %and3A_269 = arith.andi %ne3A_268, %ne3A_263 : i1
      %add3A_270 = arith.addi %rem3A_261, %select_n3A_260 : i32
      %select_n3A_271 = arith.select %and3A_269, %add3A_270, %rem3A_261 : i32
      %eq3A_272 = arith.constant 0 : i32
      %eq3A_273 = arith.cmpi eq, %select_n3A_271, %eq3A_272 : i32
      %convert_element_type3A_274 = arith.extui %eq3A_273 : i1 to i32
      %cond3A_275 = arith.constant 0 : i32
      %cond3A_276 = arith.cmpi ne, %convert_element_type3A_274, %cond3A_275 : i32
      scf.if %cond3A_276 {
        %add3A_277 = arith.addi %mul3A_2, %scan3A_14 : i32
        %add3A_278 = arith.constant 1 : i32
        %add3A_279 = arith.addi %add3A_277, %add3A_278 : i32
        %sub3A = arith.constant 16 : i32
        %sub3A_280 = arith.subi %add3A_279, %sub3A : i32
        %multiple_of3A = tpu.assume_multiple %sub3A_280, 16 : i32
        "tpu.region"() ({
          %run_scoped3A = tpu.sem_alloc : memref<!tpu.dma_semaphore, #tpu.memory_space<semaphore_mem>>
          %dma_start3A = arith.constant 0 : i32
          %dma_start3A_281 = tpu.memref_slice %arg4[%multiple_of3A, %dma_start3A] : memref<4096x128xf32, #tpu.memory_space<hbm>> -> memref<16x128xf32, #tpu.memory_space<hbm>>
          %dma_start3A_282 = arith.constant 0 : i32
          %dma_start3A_283 = tpu.memref_slice %arg4[%multiple_of3A, %dma_start3A_282] : memref<4096x128xf32, #tpu.memory_space<hbm>> -> memref<16x128xf32, #tpu.memory_space<hbm>>
          tpu.enqueue_dma source(%arg7 : memref<16x128xf32, #tpu.memory_space<vmem>>) target(%dma_start3A_283 : memref<16x128xf32, #tpu.memory_space<hbm>>) target_semaphore(%run_scoped3A : memref<!tpu.dma_semaphore, #tpu.memory_space<semaphore_mem>>)
          %dma_wait3A_284 = arith.constant 0 : i32
          %dma_wait3A_285 = tpu.memref_slice %arg4[%multiple_of3A, %dma_wait3A_284] : memref<4096x128xf32, #tpu.memory_space<hbm>> -> memref<16x128xf32, #tpu.memory_space<hbm>>
          %dma_wait3A_286 = arith.constant 0 : i32
          %dma_wait3A_287 = tpu.memref_slice %arg4[%multiple_of3A, %dma_wait3A_286] : memref<4096x128xf32, #tpu.memory_space<hbm>> -> memref<16x128xf32, #tpu.memory_space<hbm>>
          tpu.wait_dma2 semaphore(%run_scoped3A : memref<!tpu.dma_semaphore, #tpu.memory_space<semaphore_mem>>) src(%arg7 : memref<16x128xf32, #tpu.memory_space<vmem>>) dst(%dma_wait3A_287 : memref<16x128xf32, #tpu.memory_space<hbm>>)
          tpu.yield
        }) : () -> ()
      } else {
      }
    }
    %scan3A_13 = arith.constant 128 : i32
    return
  }
}

module attributes {stable_mosaic.version = 14 : i64} {
  func.func @_mlp_body(%arg0: memref<4096x128xf32, #tpu.memory_space<vmem>>, %arg1: memref<128x128xf32, #tpu.memory_space<vmem>>, %arg2: memref<128xf32, #tpu.memory_space<vmem>>, %arg3: memref<128x100xf32, #tpu.memory_space<vmem>>, %arg4: memref<100xf32, #tpu.memory_space<vmem>>, %arg5: memref<100x4096xf32, #tpu.memory_space<vmem>>) attributes {dimension_semantics = [], scalar_prefetch = 0 : i64, scratch_operands = 0 : i64, tpu.core_type = #tpu.core_type<tc>} {
    %get3A = arith.constant 0 : index
    %get3A_0 = arith.constant 0 : index
    %get3A_1 = vector.load %arg0[%get3A, %get3A_0] : memref<4096x128xf32, #tpu.memory_space<vmem>>, vector<4096x128xf32>
    %mul3A = arith.constant 5.000000e-03 : f32
    %mul3A_2 = vector.broadcast %mul3A : f32 to vector<4096x128xf32>
    %mul3A_3 = arith.mulf %get3A_1, %mul3A_2 : vector<4096x128xf32>
    %get3A_4 = arith.constant 0 : index
    %get3A_5 = arith.constant 0 : index
    %get3A_6 = vector.load %arg1[%get3A_4, %get3A_5] : memref<128x128xf32, #tpu.memory_space<vmem>>, vector<128x128xf32>
    %dot_general3A = arith.constant dense<0.000000e+00> : vector<4096x128xf32>
    %dot_general3A_7 = tpu.matmul %mul3A_3, %get3A_6, %dot_general3A {dimension_numbers = #tpu.dot_dimension_numbers<[1], [0], [0], [1], [0, 0, 1, 1], [], []>, transpose_lhs_hint = false} : vector<4096x128xf32>, vector<128x128xf32>, vector<4096x128xf32> -> vector<4096x128xf32>
    %get3A_8 = arith.constant 0 : index
    %get3A_9 = vector.load %arg2[%get3A_8] : memref<128xf32, #tpu.memory_space<vmem>>, vector<128xf32>
    %broadcast_in_dim3A = vector.shape_cast %get3A_9 : vector<128xf32> to vector<1x128xf32>
    %add3A = vector.broadcast %broadcast_in_dim3A : vector<1x128xf32> to vector<4096x128xf32>
    %add3A_10 = arith.addf %dot_general3A_7, %add3A : vector<4096x128xf32>
    %max3A = arith.constant 0.000000e+00 : f32
    %max3A_11 = vector.broadcast %max3A : f32 to vector<4096x128xf32>
    %max3A_12 = arith.maximumf %add3A_10, %max3A_11 : vector<4096x128xf32>
    %get3A_13 = arith.constant 0 : index
    %get3A_14 = arith.constant 0 : index
    %get3A_15 = vector.load %arg3[%get3A_13, %get3A_14] : memref<128x100xf32, #tpu.memory_space<vmem>>, vector<128x100xf32>
    %dot_general3A_16 = arith.constant dense<0.000000e+00> : vector<100x4096xf32>
    %dot_general3A_17 = tpu.matmul %get3A_15, %max3A_12, %dot_general3A_16 {dimension_numbers = #tpu.dot_dimension_numbers<[0], [1], [1], [0], [0, 1, 1, 0], [], []>, transpose_lhs_hint = false} : vector<128x100xf32>, vector<4096x128xf32>, vector<100x4096xf32> -> vector<100x4096xf32>
    %get3A_18 = arith.constant 0 : index
    %get3A_19 = vector.load %arg4[%get3A_18] : memref<100xf32, #tpu.memory_space<vmem>>, vector<100xf32>
    %broadcast_in_dim3A_20 = vector.shape_cast %get3A_19 : vector<100xf32> to vector<100x1xf32>
    %add3A_21 = vector.broadcast %broadcast_in_dim3A_20 : vector<100x1xf32> to vector<100x4096xf32>
    %add3A_22 = arith.addf %dot_general3A_17, %add3A_21 : vector<100x4096xf32>
    %swap3A = arith.constant 0 : index
    %swap3A_23 = arith.constant 0 : index
    %swap3A_24 = vector.load %arg5[%swap3A, %swap3A_23] : memref<100x4096xf32, #tpu.memory_space<vmem>>, vector<100x4096xf32>
    tpu.vector_store %arg5[%swap3A, %swap3A_23], %add3A_22 {strides = array<i32>} : memref<100x4096xf32, #tpu.memory_space<vmem>>, vector<100x4096xf32>,
    return
  }
}

</mosaic_0001>

<sc_bundles>
// kernel: kernel.4.cloned.1.call-start
scs
__scs_entry_jumppad:
0x0: {  	(pc) =	sbr.rel $0x88, $3  }
0x1: {  	(tag) =	ssettag $0x0;
	lr =	simm.s32 $0x1  }
0x2: {  	[smem:$0x3F9B] =	sst lr;
	_ =	strace $0xD0000000  }
0x3: {  	_ = 	snop  }
0x4: {  	_ = 	snop  }
0x5: {  	_ = 	snop  }
0x6: {  	_ = 	snop  }
0x7: {  	_ = 	snop  }
__scs_overlays_trampoline_lowered:
0x8: {  	[smem:$0x3FAA] =	sst s0  }
0x9: {  	[smem:$0x3FAB] =	sst s1  }
0xa: {  	[smem:$0x3FAC] =	sst s2  }
0xb: {  	[smem:$0x3FAD] =	sst s3  }
0xc: {  	[smem:$0x3FAE] =	sst s4  }
0xd: {  	[smem:$0x3FAF] =	sst s5  }
0xe: {  	[smem:$0x3FB0] =	sst s6  }
0xf: {  	[smem:$0x3FB1] =	sst s7  }
0x10: {  	[smem:$0x3FB2] =	sst s8  }
0x11: {  	[smem:$0x3FB3] =	sst s9;
	s0 =	simm.s32 @!p0 $0x0  }
0x12: {  	s1 =	sld [smem:$0x3F99];
	s0 =	simm.s32 @p0 $0x1  }
0x13: {  	[smem:$0x3FB4] =	sst s0;
	s0 =	simm.s32 @!p1 $0x0  }
0x14: {  	s2 =	sld [smem:$0x3F98];
	s0 =	simm.s32 @p1 $0x1  }
0x15: {  	[smem:$0x3FB5] =	sst s0;
	s0 =	simm.s32 @!p2 $0x0  }
0x16: {  	s3 =	sld [smem:$0x3FDB];
	s0 =	simm.s32 @p2 $0x1  }
0x17: {  	s4 =	simm.s32 $0x1BF5;
	[smem:$0x3FB7] =	sst s0  }
0x18: {  	s0 =	sld [smem:$0x3F9A];
	_ =	swait.ge [sflag:s4], $0x0  }
0x19: {  	s7 =	sld [smem:$0x3F9B]  }
0x1a: {  	s8 =	sadd.s32 $0xFFFFE003, lr  }
0x1b: {  	s9 =	sadd.s32 $0xFFFFFEF7, lr;
	s5 =	simm.s32 $0xFFFFFFFF;
	p2 =	slt.u32 s8, $0xFFFFF086  }
0x1c: {  	p1 =	slt.u32 s9, $0xF7A;
	s5 =	simm.s32 @!p2 $0x0  }
0x1d: {  	s5 =	simm.s32 @p1 $0x1;
	p0 =	seq.s32 s7, s2  }
0x1e: {  	s7 =	smul.u32 @!p0 $0xF7A, s2;
	p2 =	seq.s32 @!p0 s5, $0x0  }
0x1f: {  	s9 =	smul.u32 $0xF7A, s1;
	s8 =	simm.s32 @!p0 $0x1BF5;
	p2 =	por !p2, p0  }
0x20: {  	[sflag:s8] =	ssyncset.s32 @!p0 $0xFFFFF086;
	s6 =	sadd.s32 @!p0 s3, s7;
	s7 =	simm.s32 @!p0 $0x108  }
0x21: {  	s3 =	sadd.s32 s3, s9;
	s6 =	sadd.s32 @!p0 $0x88, s6;
	s7 =	simm.s32 @p2 $0x1082  }
0x22: {  	[simem:s7], [sflag:s8] =	dma.local @!p0 [hbm:s6], $0xF7A  }
0x23: {  	s9 =	sor.u32 $0xD0000000, s2;
	s6 =	simm.s32 $0x108;
	_ =	swait.ge @!p0 [sflag:s8], $0x0  }
0x24: {  	s3 =	sadd.s32 $0x88, s3;
	s6 =	simm.s32 @!p1 $0x1082;
	[sflag:s4] =	ssyncset.s32 $0xFFFFF086  }
0x25: {  	[simem:s6], [sflag:s4] =	dma.local [hbm:s3], $0xF7A  }
0x26: {  	[smem:$0x3F9B] =	sst s1;
	(tag) =	ssettag s2;
	_ =	strace s9  }
0x27: {  	s1 =	sld [smem:$0x3FAB]  }
0x28: {  	s2 =	sld [smem:$0x3FAC]  }
0x29: {  	s4 =	sld [smem:$0x3FAE]  }
0x2a: {  	p0 =	seq.s32 s5, $0x0;
	s5 =	sld [smem:$0x3FAF]  }
0x2b: {  	s6 =	sld [smem:$0x3FB0]  }
0x2c: {  	s7 =	sld [smem:$0x3FB1]  }
0x2d: {  	s3 =	simm.s32 $0x108;
	s8 =	sld [smem:$0x3FB2]  }
0x2e: {  	s3 =	simm.s32 @!p0 $0x1082;
	s9 =	sld [smem:$0x3FB3]  }
0x2f: {  	lr =	sadd.s32 s0, s3;
	s0 =	sld [smem:$0x3FAA]  }
0x30: {  	s3 =	sld [smem:$0x3FAD]  }
0x31: {  	[smem:$0x3FB6] =	sst s10  }
0x32: {  	s10 =	sld [smem:$0x3FB4];
	_ =	sdelay $0x3  }
0x33: {  	p0 =	seq.s32 s10, $0x1;
	s10 =	sld [smem:$0x3FB6];
	_ =	sdelay $0x3  }
0x34: {  	[smem:$0x3FB6] =	sst s10  }
0x35: {  	s10 =	sld [smem:$0x3FB5];
	_ =	sdelay $0x3  }
0x36: {  	p1 =	seq.s32 s10, $0x1;
	s10 =	sld [smem:$0x3FB6];
	_ =	sdelay $0x3  }
0x37: {  	[smem:$0x3FB6] =	sst s10  }
0x38: {  	s10 =	sld [smem:$0x3FB7]  }
0x39: {  	_ = 	snop;
	(pc) =	sbr.ind lr, $3  }
0x3a: {  	_ = 	snop  }
0x3b: {  	_ = 	snop  }
0x3c: {  	p2 =	seq.s32 s10, $0x1;
	s10 =	sld [smem:$0x3FB6]  }
0x3d: {  	_ =	shalt  }
0x3e: {  	_ =	shalt  }
0x3f: {  	_ =	shalt  }
0x40: {  	_ =	shalt  }
0x41: {  	_ =	shalt  }
0x42: {  	_ =	shalt  }
0x43: {  	_ =	shalt  }
0x44: {  	_ =	shalt  }
0x45: {  	_ =	shalt  }
0x46: {  	_ =	shalt  }
0x47: {  	_ =	shalt  }
0x48: {  	_ =	shalt  }
0x49: {  	_ =	shalt  }
0x4a: {  	_ =	shalt  }
0x4b: {  	_ =	shalt  }
0x4c: {  	_ =	shalt  }
0x4d: {  	_ =	shalt  }
0x4e: {  	_ =	shalt  }
0x4f: {  	_ =	shalt  }
0x50: {  	_ =	shalt  }
0x51: {  	_ =	shalt  }
0x52: {  	_ =	shalt  }
0x53: {  	_ =	shalt  }
0x54: {  	_ =	shalt  }
0x55: {  	_ =	shalt  }
0x56: {  	_ =	shalt  }
0x57: {  	_ =	shalt  }
0x58: {  	_ =	shalt  }
0x59: {  	_ =	shalt  }
0x5a: {  	_ =	shalt  }
0x5b: {  	_ =	shalt  }
0x5c: {  	_ =	shalt  }
0x5d: {  	_ =	shalt  }
0x5e: {  	_ =	shalt  }
0x5f: {  	_ =	shalt  }
0x60: {  	_ =	shalt  }
0x61: {  	_ =	shalt  }
0x62: {  	_ =	shalt  }
0x63: {  	_ =	shalt  }
0x64: {  	_ =	shalt  }
0x65: {  	_ =	shalt  }
0x66: {  	_ =	shalt  }
0x67: {  	_ =	shalt  }
0x68: {  	_ =	shalt  }
0x69: {  	_ =	shalt  }
0x6a: {  	_ =	shalt  }
0x6b: {  	_ =	shalt  }
0x6c: {  	_ =	shalt  }
0x6d: {  	_ =	shalt  }
0x6e: {  	_ =	shalt  }
0x6f: {  	_ =	shalt  }
0x70: {  	_ =	shalt  }
0x71: {  	_ =	shalt  }
0x72: {  	_ =	shalt  }
0x73: {  	_ =	shalt  }
0x74: {  	_ =	shalt  }
0x75: {  	_ =	shalt  }
0x76: {  	_ =	shalt  }
0x77: {  	_ =	shalt  }
0x78: {  	_ =	shalt  }
0x79: {  	_ =	shalt  }
0x7a: {  	_ =	shalt  }
0x7b: {  	_ =	shalt  }
0x7c: {  	_ =	shalt  }
0x7d: {  	_ =	shalt  }
0x7e: {  	_ =	shalt  }
0x7f: {  	_ =	shalt  }
0x80: {  	_ =	shalt  }
0x81: {  	_ =	shalt  }
0x82: {  	_ =	shalt  }
0x83: {  	_ =	shalt  }
0x84: {  	_ =	shalt  }
0x85: {  	_ =	shalt  }
0x86: {  	_ =	shalt  }
0x87: {  	_ =	shalt  }
.Lfunc_end0:
.L_simem_size_0:
called_computation_lowered:
.L_overlay_start_0:
0x88: {  	s2 =	sld [smem:$0x3FD9]  }
0x89: {  	s3 =	sld [smem:$0x3FFE];
	_ =	sdelay $0x1  }
0x8a: {  	s1 =	srdreg.scid  }
0x8b: {  	s0 =	sand.u32 $0x1, s1  }
0x8c: {  	s17 =	sshll.u32 s0, $0xA;
	s2 =	sadd.s32 s3, s2  }
0x8d: {  	s2 =	sadd.s32 s2, s17  }
0x8e: {  	[smem:$0x3FC2] =	sst s2  }
0x8f: {  	_ = 	snop  }
0x90: {  	s2 =	sld [smem:$0x3FC8];
	(tm) =	ssettm $0x1  }
0x91: {  	s18 =	sld [smem:$0x3FFB];
	_ =	sdelay $0x3  }
0x92: {  	_ =	strace s18  }
0x93: {  	s3 =	sld [smem:$0x3FFC];
	_ =	sdelay $0x3  }
0x94: {  	_ =	strace s3  }
0x95: {  	s3 =	sld [smem:$0x3FFD];
	_ =	sdelay $0x3  }
0x96: {  	_ =	strace s3  }
0x97: {  	_ =	strace $0x8FFFFFFF  }
0x98: {  	s19 =	sld [smem:$0x3FDB];
	_ =	sdelay $0x1  }
0x99: {  	s4 =	simm.s32 $_scs_section_size  }
0x9a: {  	s5 =	simm.s32 $_size__tile_overlayer_lowered;
	s6 =	simm.s32 $_tile_overlayer_lowered  }
0x9b: {  	s22 =	simm.s32 $0x1BFF;
	s21 =	sshll.u32 s6, $0x1;
	s3 =	sadd.s32 s4, s19  }
0x9c: {  	s7 =	simm.s32 $0x0;
	s20 =	sshll.u32 s5, $0x1;
	s5 =	sadd.s32 s21, s3  }
0x9d: {  	[timem:s7], [sflag:s22] =	dma.local [hbm:s5], s20  }
0x9e: {  	_ =	swait.ge [sflag:s22], s20  }
0x9f: {  	s4 =	ssub.s32 $0x0, s20;
	[sflag:s22] =	ssyncset.done $0x0  }
0xa0: {  	[sflag:s22] =	ssyncadd.s32 s4;
	_ =	sdelay $0x1  }
0xa1: {  	s23 =	simm.s32 $0x1B8B  }
0xa2: {  	_ =	swait.ge [sflag:s23], $0x1  }
0xa3: {  	[sflag:s23] =	ssyncset.done $0x0  }
0xa4: {  	s25 =	simm.s32 $0x1B8E;
	s24 =	sld [smem:$0x3FFE];
	[sflag:s23] =	ssyncadd.s32 $0xFFFFFFFF  }
0xa5: {  	s26 =	simm.s32 $execute0_lowered;
	[smem:$0x3FD2] =	sst s25  }
0xa6: {  	s5 =	sshll.u32 s26, $0x1;
	_ =	strace $0x80000046;
	[dreg:$0x1] =	wrdreg $0xFFFFFFFF  }
0xa7: {  	s28 =	simm.s32 $_size_execute0_lowered;
	s3 =	sadd.s32 s3, s5;
	[dreg:$0x0] =	wrdreg $0x0  }
0xa8: {  	s5 =	sshll.u32 s28, $0x1;
	[dreg:$0x2] =	wrdreg s3  }
0xa9: {  	[dreg:$0x3] =	wrdreg s5  }
0xaa: {  	[dreg:$0x4] =	wrdreg $0xC0  }
0xab: {  	_ =	task [dreg:s7], $0x5FFFF  }
0xac: {  	[dreg:$0x1] =	wrdreg $0xFFFFFFFF  }
0xad: {  	[dreg:$0x0] =	wrdreg $0x60  }
0xae: {  	[dreg:$0x2] =	wrdreg s24  }
0xaf: {  	[dreg:$0x3] =	wrdreg s2  }
0xb0: {  	[dreg:$0x4] =	wrdreg $0x9  }
0xb1: {  	_ =	task.clear_ibuf [dreg:s7], $0x5FFFF;
	_ =	strace $0x90000046  }
0xb2: {  	s29 =	simm.s32 $0x9;
	_ =	strace $0x80000048  }
0xb3: {  	_ =	swait.ge [sflag:s29], $0x1  }
0xb4: {  	[sflag:s29] =	ssyncadd.s32 $0xFFFFFFFF  }
0xb5: {  	_ =	strace $0x90000048  }
0xb6: {  	_ =	sfence  }
0xb7: {  	s30 =	sld [smem:$0x0];
	_ =	sdelay $0x2  }
0xb8: {  	s31 =	sshll.u32 s1, $0xD;
	s1 =	sshrl.u32 s1, $0x2  }
0xb9: {  	s3 =	sand.u32 $0x4000, s31;
	s1 =	sadd.s32 s1, s30  }
0xba: {  	s0 =	sor.u32 s3, s0;
	s1 =	sshll.u32 s1, $0x11  }
0xbb: {  	s0 =	sor.u32 s1, s0  }
0xbc: {  	s0 =	sadd.s32 $0x8F2B, s0  }
0xbd: {  	[sflag:s0] =	ssyncadd.remote.s32 $0x1  }
0xbe: {  	_ =	sfence.sel $0xFFFF  }
0xbf: {  	[dreg:$0x0] =	wrdreg $0xFFFFFFFF;
	(pc) =	sbr.abs _section_cstart, $3  }
0xc0: {  	[dreg:$0x1] =	wrdreg $0xFFFFFFFF  }
0xc1: {  	_ =	task.clear_ibuf [dreg:s7], $0x2FFFF;
	_ =	strace $0x9FFFFFFF  }
0xc2: {  	(tm) =	ssettm $0x7FFFFFFF  }
0xc3: {  	_ =	shalt  }
tec
execute0_lowered:
.L_overlay_start_1:
0x0: {  	(tag) =	ssettag $0x1  }
0x1: {  	s5 =	rddreg [dreg:$0x0]  }
0x2: {  	s2 =	rddreg [dreg:$0x1];
	s3 =	srdreg.scid  }
0x3: {  	s0 =	rddreg [dreg:$0x2];
	s1 =	stileid.u32;
	s9 =	simm.s32 $0x64  }
0x4: {  	s10 =	simm.s32 $0x80;
	s11 =	simm.s32 $0xB400;
	s12 =	simm.s32 $0x100  }
0x5: {  	s13 =	simm.s32 $0xE800;
	s14 =	simm.s32 $0x180;
	s15 =	simm.s32 $0x11C00  }
0x6: {  	s16 =	simm.s32 $0x200;
	s17 =	simm.s32 $0x15000;
	s18 =	simm.s32 $0x280  }
0x7: {  	s19 =	simm.s32 $0x18400;
	s20 =	simm.s32 $0x0;
	s6 =	sand.u32 $0x1, s3  }
0x8: {  	s3 =	simm.s32 $0x0;
	s4 =	sshll.u32 s1, $0x8;
	s7 =	sshll.u32 s6, $0x7  }
0x9: {  	[smem:$0x7FF] =	sst s3;
	s6 =	ssub.s32 $0x2, s6;
	s4 =	sor.u32 s7, s4  }
0xa: {  	_ =	strace $0x80000047;
	s8 =	sshrl.u32 s6, $0x1;
	s7 =	sshll.u32 s4, $0x5  }
0xb: {  	s8 =	ssub.s32 s6, s8;
	s7 =	sadd.s32 s7, s5;
	s5 =	sadd.s32 $0x20E00, s5  }
0xc: {  	s6 =	sadd.s32 $0xE00, s7;
	s7 =	smax.u32 s8, $0x1;
	s8 =	simm.s32 $0x7  }
.LBB2_1:
0xd: {  	[tilespmem:s3], [sflag:$0x7] =	stream.linear.gather [hbm4b:s6+s3], $0x8000, $0x38;
	[tilespmem:$0x1C000] =	vst v63  }
0xe: {  	_ =	swait.ge [sflag:s8], $0x8000  }
0xf: {  	[sflag:s8] =	ssyncset.done $0x0  }
0x10: {  	s21 =	simm.s32 $0x8000;
	[sflag:s8] =	ssyncadd.s32 $0xFFFF8000  }
0x11: {  	[tilespmem:s21], [sflag:$0x1] =	stream.indirect.gather [hbm4b:s2+s9], $0x80, s3, s9, $0xb8;
	[tilespmem:$0x1C000] =	vst v63  }
0x12: {  	_ = 	snop  }
0x13: {  	[tilespmem:s11], [sflag:$0x2] =	stream.indirect.gather [hbm4b:s2+s9], $0x80, s10, s9, $0xb8;
	[tilespmem:$0x1C000] =	vst v63  }
0x14: {  	_ = 	snop  }
0x15: {  	[tilespmem:s13], [sflag:$0x3] =	stream.indirect.gather [hbm4b:s2+s9], $0x80, s12, s9, $0xb8;
	[tilespmem:$0x1C000] =	vst v63  }
0x16: {  	_ = 	snop  }
0x17: {  	[tilespmem:s15], [sflag:$0x4] =	stream.indirect.gather [hbm4b:s2+s9], $0x80, s14, s9, $0xb8;
	[tilespmem:$0x1C000] =	vst v63  }
0x18: {  	_ = 	snop  }
0x19: {  	[tilespmem:s17], [sflag:$0x5] =	stream.indirect.gather [hbm4b:s2+s9], $0x80, s16, s9, $0xb8;
	[tilespmem:$0x1C000] =	vst v63  }
0x1a: {  	s22 =	simm.s32 $0x0  }
0x1b: {  	[tilespmem:s19], [sflag:$0x6] =	stream.indirect.gather [hbm4b:s2+s9], $0x80, s18, s9, $0xb8;
	[tilespmem:$0x1C000] =	vst v63  }
.LBB2_2:
0x1c: {  	s23 =	smulhi.u32 $0xAAAAAAAB, s22  }
0x1d: {  	s24 =	smul.u32 $0xAB, s22;
	_ =	sdelay $0x1  }
0x1e: {  	s23 =	sshrl.u32 s23, $0x1;
	s24 =	sshrl.u32 s24, $0x9  }
0x1f: {  	s23 =	smul.u32 $0xFFFB2000, s23;
	s24 =	sand.u32 $0x7F, s24  }
0x20: {  	s24 =	smul.u32 $0x3, s24  }
0x21: {  	s23 =	sshra.s32 s23, $0x2  }
0x22: {  	s23 =	sadd.s32 s23, s21;
	s24 =	ssub.s32 s22, s24  }
0x23: {  	s24 =	sand.u32 $0xFF, s24;
	v0 =	vmov s23  }
0x24: {  	s23 =	sshllo.u32 s24, $0x1  }
0x25: {  	_ =	swait.ge [sflag:s23], $0x3200  }
0x26: {  	[sflag:s23] =	ssyncset.done $0x0  }
0x27: {  	s25 =	simm.s32 $0x0;
	[sflag:s23] =	ssyncadd.s32 $0xFFFFCE00  }
0x28: {  	v3 =	vld.idx.msk [tilespmem:v0+s25+$0x80 ss:$0x1], $0xffff  }
0x29: {  	v5 =	vld.idx.msk [tilespmem:v0+s25+$0x90 ss:$0x1], $0xffff  }
0x2a: {  	v6 =	vld.idx.msk [tilespmem:v0+s25+$0xA0 ss:$0x1], $0xffff  }
0x2b: {  	v8 =	vld.idx.msk [tilespmem:v0+s25+$0xB0 ss:$0x1], $0xffff  }
0x2c: {  	v1 =	vld.idx.msk [tilespmem:v0+s25+$0xC0 ss:$0x1], $0xffff  }
0x2d: {  	v2 =	vld.idx.msk [tilespmem:v0+s25+$0xD0 ss:$0x1], $0xffff  }
0x2e: {  	v24 =	vld.idx.msk [tilespmem:v0+s25+$0x0 ss:$0x1], $0xffff  }
0x2f: {  	v25 =	vld.idx.msk [tilespmem:v0+s25+$0x10 ss:$0x1], $0xffff  }
0x30: {  	v23 =	vld.idx.msk [tilespmem:v0+s25+$0x20 ss:$0x1], $0xffff  }
0x31: {  	s26 =	smul.u32 $0x1A000, s24;
	v26 =	vld.idx.msk [tilespmem:v0+s25+$0x30 ss:$0x1], $0xffff  }
0x32: {  	v7 =	vimm.f32 $0.0e+00;
	v17 =	vimm.f32 $0.0e+00;
	v20 =	vld.idx.msk [tilespmem:v0+s25+$0x40 ss:$0x1], $0xffff  }
0x33: {  	v18 =	vimm.f32 $0.0e+00;
	v19 =	vimm.f32 $0.0e+00;
	v13 =	vimm.f32 $0.0e+00;
	s26 =	sshrl.u32 s26, $0x2;
	v21 =	vld.idx.msk [tilespmem:v0+s25+$0x50 ss:$0x1], $0xffff  }
0x34: {  	s29 =	simm.s32 $0x400;
	v16 =	vimm.f32 $0.0e+00;
	v14 =	vimm.f32 $0.0e+00;
	v15 =	vimm.f32 $0.0e+00;
	s28 =	sshll.u32 s24, $0x1;
	s24 =	sadd.s32 $0x8000, s26;
	v22 =	vld.idx.msk [tilespmem:v0+s25+$0x60 ss:$0x1], $0xffff  }
.LBB2_3:
0x35: {  	p0 =	sne.s32 s29, $0xC400;
	v4 =	vld.idx.msk [tilespmem:v0+s25+$0x70 ss:$0x1], $0xffff  }
0x36: {  	v7 =	vadd.f32 v24, v7;
	v9 =	vadd.f32 v25, v17;
	v10 =	vld.idx.msk [tilespmem:v0+s25+$0xE0 ss:$0x1], $0xffff  }
0x37: {  	v11 =	vadd.f32 v23, v18;
	v12 =	vadd.f32 v26, v19;
	v23 =	vld.idx.msk [tilespmem:v0+s25+$0xF0 ss:$0x1], $0xffff;
	s25 =	sshra.s32 s29, $0x2  }
0x38: {  	v7 =	vadd.f32 v3, v7;
	v17 =	vadd.f32 v5, v9;
	v3 =	vld.idx.msk [tilespmem:v0+s25+$0x80 ss:$0x1], $0xffff  }
0x39: {  	v18 =	vadd.f32 v6, v11;
	v19 =	vadd.f32 v8, v12;
	v5 =	vld.idx.msk [tilespmem:v0+s25+$0x90 ss:$0x1], $0xffff  }
0x3a: {  	v9 =	vadd.f32 v20, v13;
	v11 =	vadd.f32 v21, v16;
	v6 =	vld.idx.msk [tilespmem:v0+s25+$0xA0 ss:$0x1], $0xffff  }
0x3b: {  	v12 =	vadd.f32 v22, v14;
	v4 =	vadd.f32 v4, v15;
	v8 =	vld.idx.msk [tilespmem:v0+s25+$0xB0 ss:$0x1], $0xffff  }
0x3c: {  	v13 =	vadd.f32 v1, v9;
	v16 =	vadd.f32 v2, v11;
	v1 =	vld.idx.msk [tilespmem:v0+s25+$0xC0 ss:$0x1], $0xffff  }
0x3d: {  	v14 =	vadd.f32 v10, v12;
	v15 =	vadd.f32 v23, v4;
	v2 =	vld.idx.msk [tilespmem:v0+s25+$0xD0 ss:$0x1], $0xffff  }
0x3e: {  	v24 =	vld.idx.msk [tilespmem:v0+s25+$0x0 ss:$0x1], $0xffff  }
0x3f: {  	v25 =	vld.idx.msk [tilespmem:v0+s25+$0x10 ss:$0x1], $0xffff  }
.Ltmp0:
0x40: {  	v23 =	vld.idx.msk [tilespmem:v0+s25+$0x20 ss:$0x1], $0xffff;
	(pc) =	sbr.rel @p0 .LBB2_3-.Ltmp0, $4  }
0x41: {  	v26 =	vld.idx.msk [tilespmem:v0+s25+$0x30 ss:$0x1], $0xffff  }
0x42: {  	v20 =	vld.idx.msk [tilespmem:v0+s25+$0x40 ss:$0x1], $0xffff  }
0x43: {  	v21 =	vld.idx.msk [tilespmem:v0+s25+$0x50 ss:$0x1], $0xffff  }
0x44: {  	s29 =	sadd.s32 $0x400, s29;
	v22 =	vld.idx.msk [tilespmem:v0+s25+$0x60 ss:$0x1], $0xffff  }
0x45: {  	_ =	sdelay $0x3  }
0x46: {  	v27 =	vld.idx.msk [tilespmem:v0+s25+$0x70 ss:$0x1], $0xffff  }
0x47: {  	v28 =	vld.idx.msk [tilespmem:v0+s25+$0xE0 ss:$0x1], $0xffff  }
0x48: {  	v29 =	vld.idx.msk [tilespmem:v0+s25+$0xF0 ss:$0x1], $0xffff;
	s25 =	sadd.s32 $0x2, s28  }
0x49: {  	_ =	swait.ge [sflag:s25], $0x3200  }
0x4a: {  	[sflag:s25] =	ssyncset.done $0x0  }
0x4b: {  	s28 =	simm.s32 $0x0;
	[sflag:s25] =	ssyncadd.s32 $0xFFFFCE00  }
0x4c: {  	v12 =	vld.idx.msk [tilespmem:v0+s28+$0x3480 ss:$0x1], $0xffff  }
0x4d: {  	v9 =	vld.idx.msk [tilespmem:v0+s28+$0x3490 ss:$0x1], $0xffff  }
0x4e: {  	v10 =	vld.idx.msk [tilespmem:v0+s28+$0x34A0 ss:$0x1], $0xffff  }
0x4f: {  	v11 =	vld.idx.msk [tilespmem:v0+s28+$0x34B0 ss:$0x1], $0xffff  }
0x50: {  	v4 =	vld.idx.msk [tilespmem:v0+s28+$0x34C0 ss:$0x1], $0xffff  }
0x51: {  	v24 =	vadd.f32 v24, v7;
	v25 =	vadd.f32 v25, v17;
	v7 =	vld.idx.msk [tilespmem:v0+s28+$0x34D0 ss:$0x1], $0xffff  }
0x52: {  	v30 =	vadd.f32 v23, v18;
	v26 =	vadd.f32 v26, v19;
	v23 =	vld.idx.msk [tilespmem:v0+s28+$0x3400 ss:$0x1], $0xffff  }
0x53: {  	v17 =	vadd.f32 v3, v24;
	v18 =	vadd.f32 v5, v25;
	v24 =	vld.idx.msk [tilespmem:v0+s28+$0x3410 ss:$0x1], $0xffff  }
0x54: {  	v19 =	vadd.f32 v6, v30;
	v3 =	vadd.f32 v20, v13;
	v25 =	vld.idx.msk [tilespmem:v0+s28+$0x3420 ss:$0x1], $0xffff  }
0x55: {  	v5 =	vadd.f32 v8, v26;
	v13 =	vadd.f32 v21, v16;
	v16 =	vld.idx.msk [tilespmem:v0+s28+$0x3430 ss:$0x1], $0xffff  }
0x56: {  	v14 =	vadd.f32 v22, v14;
	v8 =	vld.idx.msk [tilespmem:v0+s28+$0x3440 ss:$0x1], $0xffff;
	v15 =	vadd.f32 v27, v15  }
0x57: {  	v6 =	vadd.f32 v1, v3;
	v2 =	vadd.f32 v2, v13;
	v13 =	vld.idx.msk [tilespmem:v0+s28+$0x3450 ss:$0x1], $0xffff  }
0x58: {  	s26 =	sadd.s32 $0xB400, s26;
	s29 =	simm.s32 $0x400;
	v3 =	vadd.f32 v28, v14;
	v14 =	vld.idx.msk [tilespmem:v0+s28+$0x3460 ss:$0x1], $0xffff;
	v1 =	vadd.f32 v29, v15  }
.LBB2_5:
0x59: {  	p0 =	sne.s32 s29, $0xC400;
	v15 =	vld.idx.msk [tilespmem:v0+s28+$0x3470 ss:$0x1], $0xffff  }
0x5a: {  	v17 =	vadd.f32 v23, v17;
	v18 =	vadd.f32 v24, v18;
	v20 =	vld.idx.msk [tilespmem:v0+s28+$0x34E0 ss:$0x1], $0xffff  }
0x5b: {  	v19 =	vadd.f32 v25, v19;
	v5 =	vadd.f32 v16, v5;
	v16 =	vld.idx.msk [tilespmem:v0+s28+$0x34F0 ss:$0x1], $0xffff;
	s28 =	sshra.s32 s29, $0x2  }
0x5c: {  	v17 =	vadd.f32 v12, v17;
	v18 =	vadd.f32 v9, v18;
	v12 =	vld.idx.msk [tilespmem:v0+s28+$0x3480 ss:$0x1], $0xffff  }
0x5d: {  	v19 =	vadd.f32 v10, v19;
	v5 =	vadd.f32 v11, v5;
	v9 =	vld.idx.msk [tilespmem:v0+s28+$0x3490 ss:$0x1], $0xffff  }
0x5e: {  	v6 =	vadd.f32 v8, v6;
	v2 =	vadd.f32 v13, v2;
	v10 =	vld.idx.msk [tilespmem:v0+s28+$0x34A0 ss:$0x1], $0xffff  }
0x5f: {  	v3 =	vadd.f32 v14, v3;
	v1 =	vadd.f32 v15, v1;
	v11 =	vld.idx.msk [tilespmem:v0+s28+$0x34B0 ss:$0x1], $0xffff  }
0x60: {  	v6 =	vadd.f32 v4, v6;
	v2 =	vadd.f32 v7, v2;
	v4 =	vld.idx.msk [tilespmem:v0+s28+$0x34C0 ss:$0x1], $0xffff  }
0x61: {  	v3 =	vadd.f32 v20, v3;
	v1 =	vadd.f32 v16, v1;
	v7 =	vld.idx.msk [tilespmem:v0+s28+$0x34D0 ss:$0x1], $0xffff  }
0x62: {  	v23 =	vld.idx.msk [tilespmem:v0+s28+$0x3400 ss:$0x1], $0xffff  }
0x63: {  	v24 =	vld.idx.msk [tilespmem:v0+s28+$0x3410 ss:$0x1], $0xffff  }
.Ltmp1:
0x64: {  	v25 =	vld.idx.msk [tilespmem:v0+s28+$0x3420 ss:$0x1], $0xffff;
	(pc) =	sbr.rel @p0 .LBB2_5-.Ltmp1, $4  }
0x65: {  	v16 =	vld.idx.msk [tilespmem:v0+s28+$0x3430 ss:$0x1], $0xffff  }
0x66: {  	v8 =	vld.idx.msk [tilespmem:v0+s28+$0x3440 ss:$0x1], $0xffff  }
0x67: {  	v13 =	vld.idx.msk [tilespmem:v0+s28+$0x3450 ss:$0x1], $0xffff  }
0x68: {  	s29 =	sadd.s32 $0x400, s29;
	v14 =	vld.idx.msk [tilespmem:v0+s28+$0x3460 ss:$0x1], $0xffff  }
0x69: {  	_ =	sdelay $0x1  }
0x6a: {  	v15 =	vadd.f32 v23, v17  }
0x6b: {  	v18 =	vadd.f32 v24, v18  }
0x6c: {  	v62 =	vld.idx.msk [tilespmem:v0+s28+$0x3470 ss:$0x1], $0xffff;
	v19 =	vadd.f32 v25, v19;
	s29 =	sshll.u32 s22, $0x7;
	v12 =	vadd.f32 v12, v15  }
0x6d: {  	v20 =	vld.idx.msk [tilespmem:v0+s28+$0x34E0 ss:$0x1], $0xffff;
	v5 =	vadd.f32 v16, v5;
	s31 =	sand.u32 $0x780, s29;
	v9 =	vadd.f32 v9, v18  }
0x6e: {  	v63 =	vld.idx.msk [tilespmem:v0+s28+$0x34F0 ss:$0x1], $0xffff;
	v10 =	vadd.f32 v10, v19;
	v6 =	vadd.f32 v8, v6;
	[tilespmem:s31+$0x1B800] =	vst v12  }
0x6f: {  	v5 =	vadd.f32 v11, v5;
	v2 =	vadd.f32 v13, v2;
	[tilespmem:s31+$0x1B810] =	vst v9  }
0x70: {  	v3 =	vadd.f32 v14, v3;
	v4 =	vadd.f32 v4, v6;
	[tilespmem:s31+$0x1B820] =	vst v10  }
0x71: {  	v1 =	vadd.f32 v62, v1;
	v2 =	vadd.f32 v7, v2;
	[tilespmem:s31+$0x1B830] =	vst v5  }
0x72: {  	p0 =	sgt.u32 s22, $0x7C;
	v3 =	vadd.f32 v20, v3;
	[tilespmem:s31+$0x1B840] =	vst v4  }
0x73: {  	s29 =	sshll.u32 @!p0 s22, $0x8;
	v0 =	vadd.f32 v63, v1;
	[tilespmem:s31+$0x1B850] =	vst v2  }
0x74: {  	s29 =	sand.u32 @!p0 $0x3FFFFF00, s29;
	[tilespmem:s31+$0x1B860] =	vst v3  }
0x75: {  	s30 =	simm.s32 @!p0 $0x64;
	s28 =	sadd.s32 @!p0 $0x300, s29;
	[tilespmem:s31+$0x1B870] =	vst v0  }
0x76: {  	[tilespmem:s24], [sflag:s23] =	stream.indirect.gather @!p0 [hbm4b:s2+s30], $0x80, s28, s30, $0xb8;
	[tilespmem:$0x1C000] =	vst v63  }
0x77: {  	s23 =	sadd.s32 @!p0 $0x380, s29  }
0x78: {  	[tilespmem:s26], [sflag:s25] =	stream.indirect.gather @!p0 [hbm4b:s2+s30], $0x80, s23, s30, $0xb8;
	[tilespmem:$0x1C000] =	vst v63  }
0x79: {  	s30 =	sadd.s32 $0x1, s22  }
0x7a: {  	s31 =	sand.u32 $0xF, s30  }
0x7b: {  	p0 =	sne.s32 s31, $0x0  }
0x7c: {  	s22 =	sor.u32 @!p0 s4, s22  }
0x7d: {  	s22 =	sshll.u32 @!p0 s22, $0x4  }
0x7e: {  	p1 =	sne.s32 s30, $0x80;
	s22 =	sadd.s32 @!p0 s5, s22  }
0x7f: {  	s24 =	simm.s32 @!p0 $0x0;
	s25 =	simm.s32 @!p0 $0x1B800;
	s22 =	sadd.s32 @!p0 $0xFFFFFF10, s22  }
0x80: {  	[hbm4b:s22+s24] =	stream.linear.scatter @!p0 [tilespmem:s25], [sflag:$0x7], $0x800, $0x38;
	[tilespmem:$0x1C000] =	vst v63  }
.Ltmp2:
0x81: {  	_ = 	snop;
	(pc) =	sbr.rel @p1 .LBB2_2-.Ltmp2, $4  }
0x82: {  	s22 =	simm.s32 @!p0 $0x7  }
0x83: {  	_ =	swait.ge @!p0 [sflag:s22], $0x800  }
0x84: {  	[sflag:s22] =	ssyncset.done @!p0 $0x0  }
0x85: {  	s21 =	sadd.s32 $0x6800, s21;
	[sflag:s22] =	ssyncadd.s32 @!p0 $0xFFFFF800;
	s22 =	smov.u32 s30  }
0x86: {  	s20 =	sadd.s32 $0x1, s20  }
0x87: {  	p0 =	sne.s32 s20, s7  }
.Ltmp3:
0x88: {  	_ = 	snop;
	(pc) =	sbr.rel @p0 .LBB2_1-.Ltmp3, $1  }
0x89: {  	_ =	sdelay $0x3  }
0x8a: {  	_ =	sfence.sel $0x180000  }
0x8b: {  	[bflag:$0x0] =	sbarrier.arrive $0xFFFF  }
0x8c: {  	p0 =	sne.s32 s1, $0x0;
	_ =	strace $0x90000047  }
0x8d: {  	s0 =	sadd.s32 @!p0 $0x100000, s0;
	[bflag:$0x2] =	sbarrier.arrive $0xFFFF  }
0x8e: {  	[sflag:s0] =	ssyncadd.tile.s32 @!p0 $0x1;
	_ =	shalt  }
.Lfunc_end2:
_tile_overlayer_lowered:
.L_overlay_start_2:
0x8f: {  	(tag) =	ssettag $0x2  }
0x90: {  	s0 =	rddreg [dreg:$0x0];
	s2 =	stileid.u32  }
0x91: {  	s1 =	rddreg [dreg:$0x1];
	p0 =	sne.s32 s2, $0x0  }
0x92: {  	s3 =	rddreg [dreg:$0x2];
	[bflag:$0x3] =	sbarrier.arrive $0xFFFF;
	s2 =	simm.s32 @!p0 $0x1C07  }
0x93: {  	[timem:s3], [sflag:s2] =	dma.local @!p0 [hbm:s0], s1  }
0x94: {  	s0 =	simm.s32 @!p0 $0x7  }
0x95: {  	_ =	swait.ge @!p0 [sflag:s0], s1  }
0x96: {  	s1 =	ssub.s32 @!p0 $0x0, s1;
	[sflag:s0] =	ssyncset.done @!p0 $0x0  }
0x97: {  	[sflag:s0] =	ssyncadd.s32 @!p0 s1  }
0x98: {  	[bflag:$0x3] =	sbarrier.arrive $0xFFFF  }
0x99: {  	_ =	shalt  }

</sc_bundles>
